<compile_context>
chip_gen: v7x
topology: tpu7x:2x2x1
jax: 0.10.2.dev20260603
libtpu: 0.0.44.dev20260713+nightly
codegen_flags: <defaults>
</compile_context>

<pallas_src>
import functools

import jax
import jax.numpy as jnp
from jax import lax
from jax.experimental import pallas as pl
from jax.experimental.pallas import tpu as pltpu
from jax.experimental.pallas import tpu_sc as plsc

M = 4096
N = 4096
NC = 1
NS = 16
NW = NC * NS
M_SC = 256
ROWS_W = M_SC // NW
VARS_W = N // NW
PK = 2 * ROWS_W + 4 * VARS_W

BM = 256
M_TC = M - M_SC
NB = M_TC // BM

_mesh = plsc.VectorSubcoreMesh(core_axis_name="c", subcore_axis_name="s", num_cores=1)


@functools.partial(
    pl.kernel,
    out_type=jax.ShapeDtypeStruct((NW, 3, 16), jnp.float32),
    mesh=_mesh,
    scratch_types=(
        pltpu.VMEM((ROWS_W, N), jnp.float32),
        pltpu.VMEM((N,), jnp.float32),
        pltpu.VMEM((PK,), jnp.float32),
        pltpu.VMEM((3, 16), jnp.float32),
        pltpu.SemaphoreType.DMA,
    ),
)
def _sc_partials(a_hbm, x_hbm, pk_hbm, out_hbm, a_v, x_v, pk_v, o_v, sem):
    wid = lax.axis_index("s") * NC + lax.axis_index("c")
    row0 = wid * ROWS_W
    var0 = wid * VARS_W

    a_copy = pltpu.async_copy(a_hbm.at[pl.ds(row0, ROWS_W)], a_v, sem)
    pltpu.sync_copy(x_hbm, x_v)
    pltpu.sync_copy(pk_hbm.at[wid], pk_v)

    zero = jnp.zeros((16,), jnp.float32)
    lane = lax.iota(jnp.int32, 16)
    OFF_IY = ROWS_W
    OFF_L = 2 * ROWS_W
    OFF_U = OFF_L + VARS_W
    OFF_IL = OFF_U + VARS_W
    OFF_IU = OFF_IL + VARS_W

    m_stk = zero
    for t in range(VARS_W // 16):
        xv = x_v[pl.ds(var0 + t * 16, 16)]
        lv = pk_v[pl.ds(OFF_L + t * 16, 16)]
        uv = pk_v[pl.ds(OFF_U + t * 16, 16)]
        ilv = pk_v[pl.ds(OFF_IL + t * 16, 16)]
        iuv = pk_v[pl.ds(OFF_IU + t * 16, 16)]
        v = jnp.maximum(lv - xv, 0.0) * ilv + jnp.maximum(xv - uv, 0.0) * iuv
        m_stk = jnp.maximum(m_stk, jnp.abs(v))

    a_copy.wait()

    sums = zero
    for half in range(2):
        @plsc.parallel_loop(0, N, step=16, unroll=4, carry=(zero,) * 8)
        def accs(j, accs, half=half):
            xv = x_v[pl.ds(j, 16)]
            return tuple(
                accs[r] + a_v[half * 8 + r, pl.ds(j, 16)] * xv
                for r in range(8)
            )

        for r in range(8):
            v = accs[r]
            for sh in (8, 4, 2, 1):
                idx = lax.bitwise_xor(lane, sh)
                v = v + v.at[idx].get(mode="promise_in_bounds")
            sums = jnp.where(lane == (half * 8 + r), v, sums)

    bvec = pk_v[pl.ds(0, 16)]
    iyv = pk_v[pl.ds(OFF_IY, 16)]
    cons = bvec - sums
    cons = cons + jnp.maximum(-cons, 0.0) * iyv
    m_stk = jnp.maximum(m_stk, jnp.abs(cons))

    o_v[0, :] = m_stk
    o_v[1, :] = jnp.abs(sums)
    o_v[2, :] = jnp.abs(bvec)
    pltpu.sync_copy(o_v, out_hbm.at[wid])


def _tc_body(a_ref, xr_ref, b_ref, iy_ref, stk_ref, ax_ref, bmx_ref):
    ax = jnp.sum(a_ref[...] * xr_ref[...], axis=1)
    bv = b_ref[...]
    cons = bv - ax
    cons = cons + jnp.maximum(-cons, 0.0) * iy_ref[...]
    stk_ref[...] = jnp.full((1, 1, 128), jnp.max(jnp.abs(cons)), jnp.float32)
    ax_ref[...] = jnp.full((1, 1, 128), jnp.max(jnp.abs(ax)), jnp.float32)
    bmx_ref[...] = jnp.full((1, 1, 128), jnp.max(jnp.abs(bv)), jnp.float32)


_tc_partials = pl.pallas_call(
    _tc_body,
    grid=(NB,),
    in_specs=[
        pl.BlockSpec((BM, N), lambda i: (M_SC // BM + i, 0)),
        pl.BlockSpec((1, N), lambda i: (0, 0)),
        pl.BlockSpec((BM,), lambda i: (M_SC // BM + i,)),
        pl.BlockSpec((BM,), lambda i: (M_SC // BM + i,)),
    ],
    out_specs=[
        pl.BlockSpec((1, 1, 128), lambda i: (i, 0, 0)),
        pl.BlockSpec((1, 1, 128), lambda i: (i, 0, 0)),
        pl.BlockSpec((1, 1, 128), lambda i: (i, 0, 0)),
    ],
    out_shape=[
        jax.ShapeDtypeStruct((NB, 1, 128), jnp.float32),
        jax.ShapeDtypeStruct((NB, 1, 128), jnp.float32),
        jax.ShapeDtypeStruct((NB, 1, 128), jnp.float32),
    ],
)


def _combine_body(p_ref, s1_ref, a1_ref, b1_ref, o_ref):
    stk = jnp.maximum(jnp.max(p_ref[:, 0, :]), jnp.max(s1_ref[...]))
    axm = jnp.maximum(jnp.max(p_ref[:, 1, :]), jnp.max(a1_ref[...]))
    bmx = jnp.maximum(jnp.max(p_ref[:, 2, :]), jnp.max(b1_ref[...]))
    o_ref[...] = jnp.reshape(stk / (1.0 + jnp.maximum(axm, bmx)), (1, 1))


def kernel(A, b, c, x, Iy, il, iu, l, u):
    del c
    pack = jnp.concatenate(
        [
            b[:M_SC].reshape(NW, ROWS_W),
            Iy[:M_SC].reshape(NW, ROWS_W),
            l.reshape(NW, VARS_W),
            u.reshape(NW, VARS_W),
            il.reshape(NW, VARS_W),
            iu.reshape(NW, VARS_W),
        ],
        axis=1,
    )
    p = _sc_partials(A, x.reshape(N), pack)
    s1, a1, b1 = _tc_partials(A, x.reshape(1, N), b, Iy.reshape(M))
    out = pl.pallas_call(
        _combine_body,
        out_shape=jax.ShapeDtypeStruct((1, 1), jnp.float32),
    )(p, s1, a1, b1)
    return out[0, 0]

# --- scband reference (transcript-rebuilt; emitter-appended) ---
"""Pipeline reference for scband-r-primal-real-62002147885383 (READ-ONLY COPY).

The authoritative reference and input builder live on the scoring server;
editing this copy changes nothing except your own understanding.
"""

import jax, jax.numpy as jnp
import numpy as np

M = 4096
N = 4096

def setup_inputs(seed: int = 0) -> dict:
    key = jax.random.key(seed)
    ks = jax.random.split(key, 9)
    A = jax.random.normal(ks[0], (M, N), dtype=jnp.float32)
    b = jax.random.normal(ks[1], (M,), dtype=jnp.float32)
    c = jax.random.normal(ks[2], (N, 1), dtype=jnp.float32)
    x = jax.random.normal(ks[3], (N, 1), dtype=jnp.float32)
    Iy = jax.random.uniform(ks[4], (M, 1), dtype=jnp.float32)
    il = jax.random.uniform(ks[5], (N, 1), dtype=jnp.float32)
    iu = jax.random.uniform(ks[6], (N, 1), dtype=jnp.float32)
    l = jax.random.normal(ks[7], (N, 1), dtype=jnp.float32)
    u = jax.random.normal(ks[8], (N, 1), dtype=jnp.float32)
    return {"A": A, "b": b, "c": c, "x": x, "Iy": Iy, "il": il, "iu": iu, "l": l, "u": u}

def reference(A, b, c, x, Iy, il, iu, l, u):
    relu = lambda t: jnp.maximum(t, 0.0)
    Ax = A @ x  # sparse.mm(A, x) -> dense matvec; [M, 1]
    var_vio = relu(l - x) * il + relu(x - u) * iu  # [N, 1]
    cons_vio = b[:, None] - Ax  # [M, 1]
    cons_vio = cons_vio + relu(-cons_vio) * Iy
    stacked = jnp.concatenate((var_vio, cons_vio), axis=0)
    part_2 = jnp.max(jnp.abs(stacked))  # inf-norm
    part_3 = 1.0 + jnp.maximum(jnp.max(jnp.abs(Ax)), jnp.max(jnp.abs(b)))
    return part_2 / part_3

if __name__ == "__main__":
    import jax
    _d = setup_inputs()
    print(jax.jit(kernel)(*tuple(_d.values())))

</pallas_src>

<mosaic_0001>
#map = affine_map<(d0, d1) -> (0, 0)>
#map1 = affine_map<(d0, d1) -> (0)>
#map2 = affine_map<(d0, d1) -> (0, 0, 0)>
module attributes {stable_mosaic.version = 14 : i64} {
  func.func @_sc_partials(%arg0: i32, %arg1: i32, %arg2: memref<4096x4096xf32, #tpu.memory_space<hbm>>, %arg3: memref<4096xf32, #tpu.memory_space<hbm>>, %arg4: memref<16x1056xf32, #tpu.memory_space<hbm>>, %arg5: memref<16x3x16xf32, #tpu.memory_space<hbm>>, %arg6: memref<16x4096xf32, #tpu.memory_space<vmem>>, %arg7: memref<4096xf32, #tpu.memory_space<vmem>>, %arg8: memref<1056xf32, #tpu.memory_space<vmem>>, %arg9: memref<3x16xf32, #tpu.memory_space<vmem>>, %arg10: memref<!tpu.dma_semaphore, #tpu.memory_space<semaphore_mem>>) attributes {dimension_semantics = [#tpu.dimension_semantics<core_parallel>, #tpu.dimension_semantics<subcore_parallel>], iteration_bounds = array<i64: 1, 16>, scalar_prefetch = 0 : i64, scratch_operands = 5 : i64, tpu.core_type = #tpu.core_type<sc_vector_subcore>, window_params = [{transform_indices = #map}, {transform_indices = #map1}, {transform_indices = #map}, {transform_indices = #map2}]} {
    %mul3A = arith.constant 1 : i32
    %mul3A_0 = arith.muli %arg1, %mul3A : i32
    %add3A = arith.addi %mul3A_0, %arg0 : i32
    %mul3A_1 = arith.constant 16 : i32
    %mul3A_2 = arith.muli %add3A, %mul3A_1 : i32
    %mul3A_3 = arith.constant 256 : i32
    %mul3A_4 = arith.muli %add3A, %mul3A_3 : i32
    %dma_start3A = arith.constant 0 : i32
    %dma_start3A_5 = tpu.memref_slice %arg2[%mul3A_2, %dma_start3A] : memref<4096x4096xf32, #tpu.memory_space<hbm>> -> memref<16x4096xf32, #tpu.memory_space<hbm>>
    %dma_start3A_6 = arith.constant 0 : i32
    %dma_start3A_7 = tpu.memref_slice %arg2[%mul3A_2, %dma_start3A_6] : memref<4096x4096xf32, #tpu.memory_space<hbm>> -> memref<16x4096xf32, #tpu.memory_space<hbm>>
    tpu.enqueue_dma source(%dma_start3A_7 : memref<16x4096xf32, #tpu.memory_space<hbm>>) target(%arg6 : memref<16x4096xf32, #tpu.memory_space<vmem>>) target_semaphore(%arg10 : memref<!tpu.dma_semaphore, #tpu.memory_space<semaphore_mem>>)
    "tpu.region"() ({
      %run_scoped3A = tpu.sem_alloc : memref<!tpu.dma_semaphore, #tpu.memory_space<semaphore_mem>>
      tpu.enqueue_dma source(%arg3 : memref<4096xf32, #tpu.memory_space<hbm>>) target(%arg7 : memref<4096xf32, #tpu.memory_space<vmem>>) target_semaphore(%run_scoped3A : memref<!tpu.dma_semaphore, #tpu.memory_space<semaphore_mem>>)
      tpu.wait_dma2 semaphore(%run_scoped3A : memref<!tpu.dma_semaphore, #tpu.memory_space<semaphore_mem>>) src(%arg3 : memref<4096xf32, #tpu.memory_space<hbm>>) dst(%arg7 : memref<4096xf32, #tpu.memory_space<vmem>>)
      tpu.yield
    }) : () -> ()
    "tpu.region"() ({
      %run_scoped3A = tpu.sem_alloc : memref<!tpu.dma_semaphore, #tpu.memory_space<semaphore_mem>>
      %dma_start3A_1485 = arith.constant 0 : i32
      %dma_start3A_1486 = tpu.memref_slice %arg4[%add3A, %dma_start3A_1485] : memref<16x1056xf32, #tpu.memory_space<hbm>> -> memref<1x1056xf32, #tpu.memory_space<hbm>>
      %dma_start3A_1487 = tpu.memref_squeeze %dma_start3A_1486 : memref<1x1056xf32, #tpu.memory_space<hbm>> -> memref<1056xf32, #tpu.memory_space<hbm>>
      %dma_start3A_1488 = arith.constant 0 : i32
      %dma_start3A_1489 = tpu.memref_slice %arg4[%add3A, %dma_start3A_1488] : memref<16x1056xf32, #tpu.memory_space<hbm>> -> memref<1x1056xf32, #tpu.memory_space<hbm>>
      %dma_start3A_1490 = tpu.memref_squeeze %dma_start3A_1489 : memref<1x1056xf32, #tpu.memory_space<hbm>> -> memref<1056xf32, #tpu.memory_space<hbm>>
      tpu.enqueue_dma source(%dma_start3A_1490 : memref<1056xf32, #tpu.memory_space<hbm>>) target(%arg8 : memref<1056xf32, #tpu.memory_space<vmem>>) target_semaphore(%run_scoped3A : memref<!tpu.dma_semaphore, #tpu.memory_space<semaphore_mem>>)
      %dma_wait3A_1491 = arith.constant 0 : i32
      %dma_wait3A_1492 = tpu.memref_slice %arg4[%add3A, %dma_wait3A_1491] : memref<16x1056xf32, #tpu.memory_space<hbm>> -> memref<1x1056xf32, #tpu.memory_space<hbm>>
      %dma_wait3A_1493 = tpu.memref_squeeze %dma_wait3A_1492 : memref<1x1056xf32, #tpu.memory_space<hbm>> -> memref<1056xf32, #tpu.memory_space<hbm>>
      %dma_wait3A_1494 = arith.constant 0 : i32
      %dma_wait3A_1495 = tpu.memref_slice %arg4[%add3A, %dma_wait3A_1494] : memref<16x1056xf32, #tpu.memory_space<hbm>> -> memref<1x1056xf32, #tpu.memory_space<hbm>>
      %dma_wait3A_1496 = tpu.memref_squeeze %dma_wait3A_1495 : memref<1x1056xf32, #tpu.memory_space<hbm>> -> memref<1056xf32, #tpu.memory_space<hbm>>
      tpu.wait_dma2 semaphore(%run_scoped3A : memref<!tpu.dma_semaphore, #tpu.memory_space<semaphore_mem>>) src(%dma_wait3A_1496 : memref<1056xf32, #tpu.memory_space<hbm>>) dst(%arg8 : memref<1056xf32, #tpu.memory_space<vmem>>)
      tpu.yield
    }) : () -> ()
    %broadcast_in_dim3A = arith.constant 0.000000e+00 : f32
    %broadcast_in_dim3A_8 = vector.broadcast %broadcast_in_dim3A : f32 to vector<16xf32>
    %iota3A = tpu.iota {dimensions = array<i32: 0>} : vector<16xi32>
    %add3A_9 = arith.constant 0 : i32
    %add3A_10 = arith.addi %mul3A_4, %add3A_9 : i32
    %get3A = arith.index_cast %add3A_10 : i32 to index
    %get3A_11 = tpu.vector_load %arg7[%get3A] {strides = array<i32>} : memref<4096xf32, #tpu.memory_space<vmem>>, vector<16xf32>,
    %get3A_12 = vector.shape_cast %get3A_11 : vector<16xf32> to vector<16xf32>
    %get3A_13 = arith.constant 32 : index
    %get3A_14 = tpu.vector_load %arg8[%get3A_13] {strides = array<i32>} : memref<1056xf32, #tpu.memory_space<vmem>>, vector<16xf32>,
    %get3A_15 = vector.shape_cast %get3A_14 : vector<16xf32> to vector<16xf32>
    %get3A_16 = arith.constant 288 : index
    %get3A_17 = tpu.vector_load %arg8[%get3A_16] {strides = array<i32>} : memref<1056xf32, #tpu.memory_space<vmem>>, vector<16xf32>,
    %get3A_18 = vector.shape_cast %get3A_17 : vector<16xf32> to vector<16xf32>
    %get3A_19 = arith.constant 544 : index
    %get3A_20 = tpu.vector_load %arg8[%get3A_19] {strides = array<i32>} : memref<1056xf32, #tpu.memory_space<vmem>>, vector<16xf32>,
    %get3A_21 = vector.shape_cast %get3A_20 : vector<16xf32> to vector<16xf32>
    %get3A_22 = arith.constant 800 : index
    %get3A_23 = tpu.vector_load %arg8[%get3A_22] {strides = array<i32>} : memref<1056xf32, #tpu.memory_space<vmem>>, vector<16xf32>,
    %get3A_24 = vector.shape_cast %get3A_23 : vector<16xf32> to vector<16xf32>
    %sub3A = arith.subf %get3A_15, %get3A_12 : vector<16xf32>
    %max3A = arith.constant 0.000000e+00 : f32
    %max3A_25 = vector.broadcast %max3A : f32 to vector<16xf32>
    %max3A_26 = arith.maximumf %sub3A, %max3A_25 : vector<16xf32>
    %mul3A_27 = arith.mulf %max3A_26, %get3A_21 : vector<16xf32>
    %sub3A_28 = arith.subf %get3A_12, %get3A_18 : vector<16xf32>
    %max3A_29 = arith.constant 0.000000e+00 : f32
    %max3A_30 = vector.broadcast %max3A_29 : f32 to vector<16xf32>
    %max3A_31 = arith.maximumf %sub3A_28, %max3A_30 : vector<16xf32>
    %mul3A_32 = arith.mulf %max3A_31, %get3A_24 : vector<16xf32>
    %add3A_33 = arith.addf %mul3A_27, %mul3A_32 : vector<16xf32>
    %abs3A = math.absf %add3A_33 : vector<16xf32>
    %max3A_34 = arith.maximumf %broadcast_in_dim3A_8, %abs3A : vector<16xf32>
    %add3A_35 = arith.constant 16 : i32
    %add3A_36 = arith.addi %mul3A_4, %add3A_35 : i32
    %get3A_37 = arith.index_cast %add3A_36 : i32 to index
    %get3A_38 = tpu.vector_load %arg7[%get3A_37] {strides = array<i32>} : memref<4096xf32, #tpu.memory_space<vmem>>, vector<16xf32>,
    %get3A_39 = vector.shape_cast %get3A_38 : vector<16xf32> to vector<16xf32>
    %get3A_40 = arith.constant 48 : index
    %get3A_41 = tpu.vector_load %arg8[%get3A_40] {strides = array<i32>} : memref<1056xf32, #tpu.memory_space<vmem>>, vector<16xf32>,
    %get3A_42 = vector.shape_cast %get3A_41 : vector<16xf32> to vector<16xf32>
    %get3A_43 = arith.constant 304 : index
    %get3A_44 = tpu.vector_load %arg8[%get3A_43] {strides = array<i32>} : memref<1056xf32, #tpu.memory_space<vmem>>, vector<16xf32>,
    %get3A_45 = vector.shape_cast %get3A_44 : vector<16xf32> to vector<16xf32>
    %get3A_46 = arith.constant 560 : index
    %get3A_47 = tpu.vector_load %arg8[%get3A_46] {strides = array<i32>} : memref<1056xf32, #tpu.memory_space<vmem>>, vector<16xf32>,
    %get3A_48 = vector.shape_cast %get3A_47 : vector<16xf32> to vector<16xf32>
    %get3A_49 = arith.constant 816 : index
    %get3A_50 = tpu.vector_load %arg8[%get3A_49] {strides = array<i32>} : memref<1056xf32, #tpu.memory_space<vmem>>, vector<16xf32>,
    %get3A_51 = vector.shape_cast %get3A_50 : vector<16xf32> to vector<16xf32>
    %sub3A_52 = arith.subf %get3A_42, %get3A_39 : vector<16xf32>
    %max3A_53 = arith.constant 0.000000e+00 : f32
    %max3A_54 = vector.broadcast %max3A_53 : f32 to vector<16xf32>
    %max3A_55 = arith.maximumf %sub3A_52, %max3A_54 : vector<16xf32>
    %mul3A_56 = arith.mulf %max3A_55, %get3A_48 : vector<16xf32>
    %sub3A_57 = arith.subf %get3A_39, %get3A_45 : vector<16xf32>
    %max3A_58 = arith.constant 0.000000e+00 : f32
    %max3A_59 = vector.broadcast %max3A_58 : f32 to vector<16xf32>
    %max3A_60 = arith.maximumf %sub3A_57, %max3A_59 : vector<16xf32>
    %mul3A_61 = arith.mulf %max3A_60, %get3A_51 : vector<16xf32>
    %add3A_62 = arith.addf %mul3A_56, %mul3A_61 : vector<16xf32>
    %abs3A_63 = math.absf %add3A_62 : vector<16xf32>
    %max3A_64 = arith.maximumf %max3A_34, %abs3A_63 : vector<16xf32>
    %add3A_65 = arith.constant 32 : i32
    %add3A_66 = arith.addi %mul3A_4, %add3A_65 : i32
    %get3A_67 = arith.index_cast %add3A_66 : i32 to index
    %get3A_68 = tpu.vector_load %arg7[%get3A_67] {strides = array<i32>} : memref<4096xf32, #tpu.memory_space<vmem>>, vector<16xf32>,
    %get3A_69 = vector.shape_cast %get3A_68 : vector<16xf32> to vector<16xf32>
    %get3A_70 = arith.constant 64 : index
    %get3A_71 = tpu.vector_load %arg8[%get3A_70] {strides = array<i32>} : memref<1056xf32, #tpu.memory_space<vmem>>, vector<16xf32>,
    %get3A_72 = vector.shape_cast %get3A_71 : vector<16xf32> to vector<16xf32>
    %get3A_73 = arith.constant 320 : index
    %get3A_74 = tpu.vector_load %arg8[%get3A_73] {strides = array<i32>} : memref<1056xf32, #tpu.memory_space<vmem>>, vector<16xf32>,
    %get3A_75 = vector.shape_cast %get3A_74 : vector<16xf32> to vector<16xf32>
    %get3A_76 = arith.constant 576 : index
    %get3A_77 = tpu.vector_load %arg8[%get3A_76] {strides = array<i32>} : memref<1056xf32, #tpu.memory_space<vmem>>, vector<16xf32>,
    %get3A_78 = vector.shape_cast %get3A_77 : vector<16xf32> to vector<16xf32>
    %get3A_79 = arith.constant 832 : index
    %get3A_80 = tpu.vector_load %arg8[%get3A_79] {strides = array<i32>} : memref<1056xf32, #tpu.memory_space<vmem>>, vector<16xf32>,
    %get3A_81 = vector.shape_cast %get3A_80 : vector<16xf32> to vector<16xf32>
    %sub3A_82 = arith.subf %get3A_72, %get3A_69 : vector<16xf32>
    %max3A_83 = arith.constant 0.000000e+00 : f32
    %max3A_84 = vector.broadcast %max3A_83 : f32 to vector<16xf32>
    %max3A_85 = arith.maximumf %sub3A_82, %max3A_84 : vector<16xf32>
    %mul3A_86 = arith.mulf %max3A_85, %get3A_78 : vector<16xf32>
    %sub3A_87 = arith.subf %get3A_69, %get3A_75 : vector<16xf32>
    %max3A_88 = arith.constant 0.000000e+00 : f32
    %max3A_89 = vector.broadcast %max3A_88 : f32 to vector<16xf32>
    %max3A_90 = arith.maximumf %sub3A_87, %max3A_89 : vector<16xf32>
    %mul3A_91 = arith.mulf %max3A_90, %get3A_81 : vector<16xf32>
    %add3A_92 = arith.addf %mul3A_86, %mul3A_91 : vector<16xf32>
    %abs3A_93 = math.absf %add3A_92 : vector<16xf32>
    %max3A_94 = arith.maximumf %max3A_64, %abs3A_93 : vector<16xf32>
    %add3A_95 = arith.constant 48 : i32
    %add3A_96 = arith.addi %mul3A_4, %add3A_95 : i32
    %get3A_97 = arith.index_cast %add3A_96 : i32 to index
    %get3A_98 = tpu.vector_load %arg7[%get3A_97] {strides = array<i32>} : memref<4096xf32, #tpu.memory_space<vmem>>, vector<16xf32>,
    %get3A_99 = vector.shape_cast %get3A_98 : vector<16xf32> to vector<16xf32>
    %get3A_100 = arith.constant 80 : index
    %get3A_101 = tpu.vector_load %arg8[%get3A_100] {strides = array<i32>} : memref<1056xf32, #tpu.memory_space<vmem>>, vector<16xf32>,
    %get3A_102 = vector.shape_cast %get3A_101 : vector<16xf32> to vector<16xf32>
    %get3A_103 = arith.constant 336 : index
    %get3A_104 = tpu.vector_load %arg8[%get3A_103] {strides = array<i32>} : memref<1056xf32, #tpu.memory_space<vmem>>, vector<16xf32>,
    %get3A_105 = vector.shape_cast %get3A_104 : vector<16xf32> to vector<16xf32>
    %get3A_106 = arith.constant 592 : index
    %get3A_107 = tpu.vector_load %arg8[%get3A_106] {strides = array<i32>} : memref<1056xf32, #tpu.memory_space<vmem>>, vector<16xf32>,
    %get3A_108 = vector.shape_cast %get3A_107 : vector<16xf32> to vector<16xf32>
    %get3A_109 = arith.constant 848 : index
    %get3A_110 = tpu.vector_load %arg8[%get3A_109] {strides = array<i32>} : memref<1056xf32, #tpu.memory_space<vmem>>, vector<16xf32>,
    %get3A_111 = vector.shape_cast %get3A_110 : vector<16xf32> to vector<16xf32>
    %sub3A_112 = arith.subf %get3A_102, %get3A_99 : vector<16xf32>
    %max3A_113 = arith.constant 0.000000e+00 : f32
    %max3A_114 = vector.broadcast %max3A_113 : f32 to vector<16xf32>
    %max3A_115 = arith.maximumf %sub3A_112, %max3A_114 : vector<16xf32>
    %mul3A_116 = arith.mulf %max3A_115, %get3A_108 : vector<16xf32>
    %sub3A_117 = arith.subf %get3A_99, %get3A_105 : vector<16xf32>
    %max3A_118 = arith.constant 0.000000e+00 : f32
    %max3A_119 = vector.broadcast %max3A_118 : f32 to vector<16xf32>
    %max3A_120 = arith.maximumf %sub3A_117, %max3A_119 : vector<16xf32>
    %mul3A_121 = arith.mulf %max3A_120, %get3A_111 : vector<16xf32>
    %add3A_122 = arith.addf %mul3A_116, %mul3A_121 : vector<16xf32>
    %abs3A_123 = math.absf %add3A_122 : vector<16xf32>
    %max3A_124 = arith.maximumf %max3A_94, %abs3A_123 : vector<16xf32>
    %add3A_125 = arith.constant 64 : i32
    %add3A_126 = arith.addi %mul3A_4, %add3A_125 : i32
    %get3A_127 = arith.index_cast %add3A_126 : i32 to index
    %get3A_128 = tpu.vector_load %arg7[%get3A_127] {strides = array<i32>} : memref<4096xf32, #tpu.memory_space<vmem>>, vector<16xf32>,
    %get3A_129 = vector.shape_cast %get3A_128 : vector<16xf32> to vector<16xf32>
    %get3A_130 = arith.constant 96 : index
    %get3A_131 = tpu.vector_load %arg8[%get3A_130] {strides = array<i32>} : memref<1056xf32, #tpu.memory_space<vmem>>, vector<16xf32>,
    %get3A_132 = vector.shape_cast %get3A_131 : vector<16xf32> to vector<16xf32>
    %get3A_133 = arith.constant 352 : index
    %get3A_134 = tpu.vector_load %arg8[%get3A_133] {strides = array<i32>} : memref<1056xf32, #tpu.memory_space<vmem>>, vector<16xf32>,
    %get3A_135 = vector.shape_cast %get3A_134 : vector<16xf32> to vector<16xf32>
    %get3A_136 = arith.constant 608 : index
    %get3A_137 = tpu.vector_load %arg8[%get3A_136] {strides = array<i32>} : memref<1056xf32, #tpu.memory_space<vmem>>, vector<16xf32>,
    %get3A_138 = vector.shape_cast %get3A_137 : vector<16xf32> to vector<16xf32>
    %get3A_139 = arith.constant 864 : index
    %get3A_140 = tpu.vector_load %arg8[%get3A_139] {strides = array<i32>} : memref<1056xf32, #tpu.memory_space<vmem>>, vector<16xf32>,
    %get3A_141 = vector.shape_cast %get3A_140 : vector<16xf32> to vector<16xf32>
    %sub3A_142 = arith.subf %get3A_132, %get3A_129 : vector<16xf32>
    %max3A_143 = arith.constant 0.000000e+00 : f32
    %max3A_144 = vector.broadcast %max3A_143 : f32 to vector<16xf32>
    %max3A_145 = arith.maximumf %sub3A_142, %max3A_144 : vector<16xf32>
    %mul3A_146 = arith.mulf %max3A_145, %get3A_138 : vector<16xf32>
    %sub3A_147 = arith.subf %get3A_129, %get3A_135 : vector<16xf32>
    %max3A_148 = arith.constant 0.000000e+00 : f32
    %max3A_149 = vector.broadcast %max3A_148 : f32 to vector<16xf32>
    %max3A_150 = arith.maximumf %sub3A_147, %max3A_149 : vector<16xf32>
    %mul3A_151 = arith.mulf %max3A_150, %get3A_141 : vector<16xf32>
    %add3A_152 = arith.addf %mul3A_146, %mul3A_151 : vector<16xf32>
    %abs3A_153 = math.absf %add3A_152 : vector<16xf32>
    %max3A_154 = arith.maximumf %max3A_124, %abs3A_153 : vector<16xf32>
    %add3A_155 = arith.constant 80 : i32
    %add3A_156 = arith.addi %mul3A_4, %add3A_155 : i32
    %get3A_157 = arith.index_cast %add3A_156 : i32 to index
    %get3A_158 = tpu.vector_load %arg7[%get3A_157] {strides = array<i32>} : memref<4096xf32, #tpu.memory_space<vmem>>, vector<16xf32>,
    %get3A_159 = vector.shape_cast %get3A_158 : vector<16xf32> to vector<16xf32>
    %get3A_160 = arith.constant 112 : index
    %get3A_161 = tpu.vector_load %arg8[%get3A_160] {strides = array<i32>} : memref<1056xf32, #tpu.memory_space<vmem>>, vector<16xf32>,
    %get3A_162 = vector.shape_cast %get3A_161 : vector<16xf32> to vector<16xf32>
    %get3A_163 = arith.constant 368 : index
    %get3A_164 = tpu.vector_load %arg8[%get3A_163] {strides = array<i32>} : memref<1056xf32, #tpu.memory_space<vmem>>, vector<16xf32>,
    %get3A_165 = vector.shape_cast %get3A_164 : vector<16xf32> to vector<16xf32>
    %get3A_166 = arith.constant 624 : index
    %get3A_167 = tpu.vector_load %arg8[%get3A_166] {strides = array<i32>} : memref<1056xf32, #tpu.memory_space<vmem>>, vector<16xf32>,
    %get3A_168 = vector.shape_cast %get3A_167 : vector<16xf32> to vector<16xf32>
    %get3A_169 = arith.constant 880 : index
    %get3A_170 = tpu.vector_load %arg8[%get3A_169] {strides = array<i32>} : memref<1056xf32, #tpu.memory_space<vmem>>, vector<16xf32>,
    %get3A_171 = vector.shape_cast %get3A_170 : vector<16xf32> to vector<16xf32>
    %sub3A_172 = arith.subf %get3A_162, %get3A_159 : vector<16xf32>
    %max3A_173 = arith.constant 0.000000e+00 : f32
    %max3A_174 = vector.broadcast %max3A_173 : f32 to vector<16xf32>
    %max3A_175 = arith.maximumf %sub3A_172, %max3A_174 : vector<16xf32>
    %mul3A_176 = arith.mulf %max3A_175, %get3A_168 : vector<16xf32>
    %sub3A_177 = arith.subf %get3A_159, %get3A_165 : vector<16xf32>
    %max3A_178 = arith.constant 0.000000e+00 : f32
    %max3A_179 = vector.broadcast %max3A_178 : f32 to vector<16xf32>
    %max3A_180 = arith.maximumf %sub3A_177, %max3A_179 : vector<16xf32>
    %mul3A_181 = arith.mulf %max3A_180, %get3A_171 : vector<16xf32>
    %add3A_182 = arith.addf %mul3A_176, %mul3A_181 : vector<16xf32>
    %abs3A_183 = math.absf %add3A_182 : vector<16xf32>
    %max3A_184 = arith.maximumf %max3A_154, %abs3A_183 : vector<16xf32>
    %add3A_185 = arith.constant 96 : i32
    %add3A_186 = arith.addi %mul3A_4, %add3A_185 : i32
    %get3A_187 = arith.index_cast %add3A_186 : i32 to index
    %get3A_188 = tpu.vector_load %arg7[%get3A_187] {strides = array<i32>} : memref<4096xf32, #tpu.memory_space<vmem>>, vector<16xf32>,
    %get3A_189 = vector.shape_cast %get3A_188 : vector<16xf32> to vector<16xf32>
    %get3A_190 = arith.constant 128 : index
    %get3A_191 = tpu.vector_load %arg8[%get3A_190] {strides = array<i32>} : memref<1056xf32, #tpu.memory_space<vmem>>, vector<16xf32>,
    %get3A_192 = vector.shape_cast %get3A_191 : vector<16xf32> to vector<16xf32>
    %get3A_193 = arith.constant 384 : index
    %get3A_194 = tpu.vector_load %arg8[%get3A_193] {strides = array<i32>} : memref<1056xf32, #tpu.memory_space<vmem>>, vector<16xf32>,
    %get3A_195 = vector.shape_cast %get3A_194 : vector<16xf32> to vector<16xf32>
    %get3A_196 = arith.constant 640 : index
    %get3A_197 = tpu.vector_load %arg8[%get3A_196] {strides = array<i32>} : memref<1056xf32, #tpu.memory_space<vmem>>, vector<16xf32>,
    %get3A_198 = vector.shape_cast %get3A_197 : vector<16xf32> to vector<16xf32>
    %get3A_199 = arith.constant 896 : index
    %get3A_200 = tpu.vector_load %arg8[%get3A_199] {strides = array<i32>} : memref<1056xf32, #tpu.memory_space<vmem>>, vector<16xf32>,
    %get3A_201 = vector.shape_cast %get3A_200 : vector<16xf32> to vector<16xf32>
    %sub3A_202 = arith.subf %get3A_192, %get3A_189 : vector<16xf32>
    %max3A_203 = arith.constant 0.000000e+00 : f32
    %max3A_204 = vector.broadcast %max3A_203 : f32 to vector<16xf32>
    %max3A_205 = arith.maximumf %sub3A_202, %max3A_204 : vector<16xf32>
    %mul3A_206 = arith.mulf %max3A_205, %get3A_198 : vector<16xf32>
    %sub3A_207 = arith.subf %get3A_189, %get3A_195 : vector<16xf32>
    %max3A_208 = arith.constant 0.000000e+00 : f32
    %max3A_209 = vector.broadcast %max3A_208 : f32 to vector<16xf32>
    %max3A_210 = arith.maximumf %sub3A_207, %max3A_209 : vector<16xf32>
    %mul3A_211 = arith.mulf %max3A_210, %get3A_201 : vector<16xf32>
    %add3A_212 = arith.addf %mul3A_206, %mul3A_211 : vector<16xf32>
    %abs3A_213 = math.absf %add3A_212 : vector<16xf32>
    %max3A_214 = arith.maximumf %max3A_184, %abs3A_213 : vector<16xf32>
    %add3A_215 = arith.constant 112 : i32
    %add3A_216 = arith.addi %mul3A_4, %add3A_215 : i32
    %get3A_217 = arith.index_cast %add3A_216 : i32 to index
    %get3A_218 = tpu.vector_load %arg7[%get3A_217] {strides = array<i32>} : memref<4096xf32, #tpu.memory_space<vmem>>, vector<16xf32>,
    %get3A_219 = vector.shape_cast %get3A_218 : vector<16xf32> to vector<16xf32>
    %get3A_220 = arith.constant 144 : index
    %get3A_221 = tpu.vector_load %arg8[%get3A_220] {strides = array<i32>} : memref<1056xf32, #tpu.memory_space<vmem>>, vector<16xf32>,
    %get3A_222 = vector.shape_cast %get3A_221 : vector<16xf32> to vector<16xf32>
    %get3A_223 = arith.constant 400 : index
    %get3A_224 = tpu.vector_load %arg8[%get3A_223] {strides = array<i32>} : memref<1056xf32, #tpu.memory_space<vmem>>, vector<16xf32>,
    %get3A_225 = vector.shape_cast %get3A_224 : vector<16xf32> to vector<16xf32>
    %get3A_226 = arith.constant 656 : index
    %get3A_227 = tpu.vector_load %arg8[%get3A_226] {strides = array<i32>} : memref<1056xf32, #tpu.memory_space<vmem>>, vector<16xf32>,
    %get3A_228 = vector.shape_cast %get3A_227 : vector<16xf32> to vector<16xf32>
    %get3A_229 = arith.constant 912 : index
    %get3A_230 = tpu.vector_load %arg8[%get3A_229] {strides = array<i32>} : memref<1056xf32, #tpu.memory_space<vmem>>, vector<16xf32>,
    %get3A_231 = vector.shape_cast %get3A_230 : vector<16xf32> to vector<16xf32>
    %sub3A_232 = arith.subf %get3A_222, %get3A_219 : vector<16xf32>
    %max3A_233 = arith.constant 0.000000e+00 : f32
    %max3A_234 = vector.broadcast %max3A_233 : f32 to vector<16xf32>
    %max3A_235 = arith.maximumf %sub3A_232, %max3A_234 : vector<16xf32>
    %mul3A_236 = arith.mulf %max3A_235, %get3A_228 : vector<16xf32>
    %sub3A_237 = arith.subf %get3A_219, %get3A_225 : vector<16xf32>
    %max3A_238 = arith.constant 0.000000e+00 : f32
    %max3A_239 = vector.broadcast %max3A_238 : f32 to vector<16xf32>
    %max3A_240 = arith.maximumf %sub3A_237, %max3A_239 : vector<16xf32>
    %mul3A_241 = arith.mulf %max3A_240, %get3A_231 : vector<16xf32>
    %add3A_242 = arith.addf %mul3A_236, %mul3A_241 : vector<16xf32>
    %abs3A_243 = math.absf %add3A_242 : vector<16xf32>
    %max3A_244 = arith.maximumf %max3A_214, %abs3A_243 : vector<16xf32>
    %add3A_245 = arith.constant 128 : i32
    %add3A_246 = arith.addi %mul3A_4, %add3A_245 : i32
    %get3A_247 = arith.index_cast %add3A_246 : i32 to index
    %get3A_248 = tpu.vector_load %arg7[%get3A_247] {strides = array<i32>} : memref<4096xf32, #tpu.memory_space<vmem>>, vector<16xf32>,
    %get3A_249 = vector.shape_cast %get3A_248 : vector<16xf32> to vector<16xf32>
    %get3A_250 = arith.constant 160 : index
    %get3A_251 = tpu.vector_load %arg8[%get3A_250] {strides = array<i32>} : memref<1056xf32, #tpu.memory_space<vmem>>, vector<16xf32>,
    %get3A_252 = vector.shape_cast %get3A_251 : vector<16xf32> to vector<16xf32>
    %get3A_253 = arith.constant 416 : index
    %get3A_254 = tpu.vector_load %arg8[%get3A_253] {strides = array<i32>} : memref<1056xf32, #tpu.memory_space<vmem>>, vector<16xf32>,
    %get3A_255 = vector.shape_cast %get3A_254 : vector<16xf32> to vector<16xf32>
    %get3A_256 = arith.constant 672 : index
    %get3A_257 = tpu.vector_load %arg8[%get3A_256] {strides = array<i32>} : memref<1056xf32, #tpu.memory_space<vmem>>, vector<16xf32>,
    %get3A_258 = vector.shape_cast %get3A_257 : vector<16xf32> to vector<16xf32>
    %get3A_259 = arith.constant 928 : index
    %get3A_260 = tpu.vector_load %arg8[%get3A_259] {strides = array<i32>} : memref<1056xf32, #tpu.memory_space<vmem>>, vector<16xf32>,
    %get3A_261 = vector.shape_cast %get3A_260 : vector<16xf32> to vector<16xf32>
    %sub3A_262 = arith.subf %get3A_252, %get3A_249 : vector<16xf32>
    %max3A_263 = arith.constant 0.000000e+00 : f32
    %max3A_264 = vector.broadcast %max3A_263 : f32 to vector<16xf32>
    %max3A_265 = arith.maximumf %sub3A_262, %max3A_264 : vector<16xf32>
    %mul3A_266 = arith.mulf %max3A_265, %get3A_258 : vector<16xf32>
    %sub3A_267 = arith.subf %get3A_249, %get3A_255 : vector<16xf32>
    %max3A_268 = arith.constant 0.000000e+00 : f32
    %max3A_269 = vector.broadcast %max3A_268 : f32 to vector<16xf32>
    %max3A_270 = arith.maximumf %sub3A_267, %max3A_269 : vector<16xf32>
    %mul3A_271 = arith.mulf %max3A_270, %get3A_261 : vector<16xf32>
    %add3A_272 = arith.addf %mul3A_266, %mul3A_271 : vector<16xf32>
    %abs3A_273 = math.absf %add3A_272 : vector<16xf32>
    %max3A_274 = arith.maximumf %max3A_244, %abs3A_273 : vector<16xf32>
    %add3A_275 = arith.constant 144 : i32
    %add3A_276 = arith.addi %mul3A_4, %add3A_275 : i32
    %get3A_277 = arith.index_cast %add3A_276 : i32 to index
    %get3A_278 = tpu.vector_load %arg7[%get3A_277] {strides = array<i32>} : memref<4096xf32, #tpu.memory_space<vmem>>, vector<16xf32>,
    %get3A_279 = vector.shape_cast %get3A_278 : vector<16xf32> to vector<16xf32>
    %get3A_280 = arith.constant 176 : index
    %get3A_281 = tpu.vector_load %arg8[%get3A_280] {strides = array<i32>} : memref<1056xf32, #tpu.memory_space<vmem>>, vector<16xf32>,
    %get3A_282 = vector.shape_cast %get3A_281 : vector<16xf32> to vector<16xf32>
    %get3A_283 = arith.constant 432 : index
    %get3A_284 = tpu.vector_load %arg8[%get3A_283] {strides = array<i32>} : memref<1056xf32, #tpu.memory_space<vmem>>, vector<16xf32>,
    %get3A_285 = vector.shape_cast %get3A_284 : vector<16xf32> to vector<16xf32>
    %get3A_286 = arith.constant 688 : index
    %get3A_287 = tpu.vector_load %arg8[%get3A_286] {strides = array<i32>} : memref<1056xf32, #tpu.memory_space<vmem>>, vector<16xf32>,
    %get3A_288 = vector.shape_cast %get3A_287 : vector<16xf32> to vector<16xf32>
    %get3A_289 = arith.constant 944 : index
    %get3A_290 = tpu.vector_load %arg8[%get3A_289] {strides = array<i32>} : memref<1056xf32, #tpu.memory_space<vmem>>, vector<16xf32>,
    %get3A_291 = vector.shape_cast %get3A_290 : vector<16xf32> to vector<16xf32>
    %sub3A_292 = arith.subf %get3A_282, %get3A_279 : vector<16xf32>
    %max3A_293 = arith.constant 0.000000e+00 : f32
    %max3A_294 = vector.broadcast %max3A_293 : f32 to vector<16xf32>
    %max3A_295 = arith.maximumf %sub3A_292, %max3A_294 : vector<16xf32>
    %mul3A_296 = arith.mulf %max3A_295, %get3A_288 : vector<16xf32>
    %sub3A_297 = arith.subf %get3A_279, %get3A_285 : vector<16xf32>
    %max3A_298 = arith.constant 0.000000e+00 : f32
    %max3A_299 = vector.broadcast %max3A_298 : f32 to vector<16xf32>
    %max3A_300 = arith.maximumf %sub3A_297, %max3A_299 : vector<16xf32>
    %mul3A_301 = arith.mulf %max3A_300, %get3A_291 : vector<16xf32>
    %add3A_302 = arith.addf %mul3A_296, %mul3A_301 : vector<16xf32>
    %abs3A_303 = math.absf %add3A_302 : vector<16xf32>
    %max3A_304 = arith.maximumf %max3A_274, %abs3A_303 : vector<16xf32>
    %add3A_305 = arith.constant 160 : i32
    %add3A_306 = arith.addi %mul3A_4, %add3A_305 : i32
    %get3A_307 = arith.index_cast %add3A_306 : i32 to index
    %get3A_308 = tpu.vector_load %arg7[%get3A_307] {strides = array<i32>} : memref<4096xf32, #tpu.memory_space<vmem>>, vector<16xf32>,
    %get3A_309 = vector.shape_cast %get3A_308 : vector<16xf32> to vector<16xf32>
    %get3A_310 = arith.constant 192 : index
    %get3A_311 = tpu.vector_load %arg8[%get3A_310] {strides = array<i32>} : memref<1056xf32, #tpu.memory_space<vmem>>, vector<16xf32>,
    %get3A_312 = vector.shape_cast %get3A_311 : vector<16xf32> to vector<16xf32>
    %get3A_313 = arith.constant 448 : index
    %get3A_314 = tpu.vector_load %arg8[%get3A_313] {strides = array<i32>} : memref<1056xf32, #tpu.memory_space<vmem>>, vector<16xf32>,
    %get3A_315 = vector.shape_cast %get3A_314 : vector<16xf32> to vector<16xf32>
    %get3A_316 = arith.constant 704 : index
    %get3A_317 = tpu.vector_load %arg8[%get3A_316] {strides = array<i32>} : memref<1056xf32, #tpu.memory_space<vmem>>, vector<16xf32>,
    %get3A_318 = vector.shape_cast %get3A_317 : vector<16xf32> to vector<16xf32>
    %get3A_319 = arith.constant 960 : index
    %get3A_320 = tpu.vector_load %arg8[%get3A_319] {strides = array<i32>} : memref<1056xf32, #tpu.memory_space<vmem>>, vector<16xf32>,
    %get3A_321 = vector.shape_cast %get3A_320 : vector<16xf32> to vector<16xf32>
    %sub3A_322 = arith.subf %get3A_312, %get3A_309 : vector<16xf32>
    %max3A_323 = arith.constant 0.000000e+00 : f32
    %max3A_324 = vector.broadcast %max3A_323 : f32 to vector<16xf32>
    %max3A_325 = arith.maximumf %sub3A_322, %max3A_324 : vector<16xf32>
    %mul3A_326 = arith.mulf %max3A_325, %get3A_318 : vector<16xf32>
    %sub3A_327 = arith.subf %get3A_309, %get3A_315 : vector<16xf32>
    %max3A_328 = arith.constant 0.000000e+00 : f32
    %max3A_329 = vector.broadcast %max3A_328 : f32 to vector<16xf32>
    %max3A_330 = arith.maximumf %sub3A_327, %max3A_329 : vector<16xf32>
    %mul3A_331 = arith.mulf %max3A_330, %get3A_321 : vector<16xf32>
    %add3A_332 = arith.addf %mul3A_326, %mul3A_331 : vector<16xf32>
    %abs3A_333 = math.absf %add3A_332 : vector<16xf32>
    %max3A_334 = arith.maximumf %max3A_304, %abs3A_333 : vector<16xf32>
    %add3A_335 = arith.constant 176 : i32
    %add3A_336 = arith.addi %mul3A_4, %add3A_335 : i32
    %get3A_337 = arith.index_cast %add3A_336 : i32 to index
    %get3A_338 = tpu.vector_load %arg7[%get3A_337] {strides = array<i32>} : memref<4096xf32, #tpu.memory_space<vmem>>, vector<16xf32>,
    %get3A_339 = vector.shape_cast %get3A_338 : vector<16xf32> to vector<16xf32>
    %get3A_340 = arith.constant 208 : index
    %get3A_341 = tpu.vector_load %arg8[%get3A_340] {strides = array<i32>} : memref<1056xf32, #tpu.memory_space<vmem>>, vector<16xf32>,
    %get3A_342 = vector.shape_cast %get3A_341 : vector<16xf32> to vector<16xf32>
    %get3A_343 = arith.constant 464 : index
    %get3A_344 = tpu.vector_load %arg8[%get3A_343] {strides = array<i32>} : memref<1056xf32, #tpu.memory_space<vmem>>, vector<16xf32>,
    %get3A_345 = vector.shape_cast %get3A_344 : vector<16xf32> to vector<16xf32>
    %get3A_346 = arith.constant 720 : index
    %get3A_347 = tpu.vector_load %arg8[%get3A_346] {strides = array<i32>} : memref<1056xf32, #tpu.memory_space<vmem>>, vector<16xf32>,
    %get3A_348 = vector.shape_cast %get3A_347 : vector<16xf32> to vector<16xf32>
    %get3A_349 = arith.constant 976 : index
    %get3A_350 = tpu.vector_load %arg8[%get3A_349] {strides = array<i32>} : memref<1056xf32, #tpu.memory_space<vmem>>, vector<16xf32>,
    %get3A_351 = vector.shape_cast %get3A_350 : vector<16xf32> to vector<16xf32>
    %sub3A_352 = arith.subf %get3A_342, %get3A_339 : vector<16xf32>
    %max3A_353 = arith.constant 0.000000e+00 : f32
    %max3A_354 = vector.broadcast %max3A_353 : f32 to vector<16xf32>
    %max3A_355 = arith.maximumf %sub3A_352, %max3A_354 : vector<16xf32>
    %mul3A_356 = arith.mulf %max3A_355, %get3A_348 : vector<16xf32>
    %sub3A_357 = arith.subf %get3A_339, %get3A_345 : vector<16xf32>
    %max3A_358 = arith.constant 0.000000e+00 : f32
    %max3A_359 = vector.broadcast %max3A_358 : f32 to vector<16xf32>
    %max3A_360 = arith.maximumf %sub3A_357, %max3A_359 : vector<16xf32>
    %mul3A_361 = arith.mulf %max3A_360, %get3A_351 : vector<16xf32>
    %add3A_362 = arith.addf %mul3A_356, %mul3A_361 : vector<16xf32>
    %abs3A_363 = math.absf %add3A_362 : vector<16xf32>
    %max3A_364 = arith.maximumf %max3A_334, %abs3A_363 : vector<16xf32>
    %add3A_365 = arith.constant 192 : i32
    %add3A_366 = arith.addi %mul3A_4, %add3A_365 : i32
    %get3A_367 = arith.index_cast %add3A_366 : i32 to index
    %get3A_368 = tpu.vector_load %arg7[%get3A_367] {strides = array<i32>} : memref<4096xf32, #tpu.memory_space<vmem>>, vector<16xf32>,
    %get3A_369 = vector.shape_cast %get3A_368 : vector<16xf32> to vector<16xf32>
    %get3A_370 = arith.constant 224 : index
    %get3A_371 = tpu.vector_load %arg8[%get3A_370] {strides = array<i32>} : memref<1056xf32, #tpu.memory_space<vmem>>, vector<16xf32>,
    %get3A_372 = vector.shape_cast %get3A_371 : vector<16xf32> to vector<16xf32>
    %get3A_373 = arith.constant 480 : index
    %get3A_374 = tpu.vector_load %arg8[%get3A_373] {strides = array<i32>} : memref<1056xf32, #tpu.memory_space<vmem>>, vector<16xf32>,
    %get3A_375 = vector.shape_cast %get3A_374 : vector<16xf32> to vector<16xf32>
    %get3A_376 = arith.constant 736 : index
    %get3A_377 = tpu.vector_load %arg8[%get3A_376] {strides = array<i32>} : memref<1056xf32, #tpu.memory_space<vmem>>, vector<16xf32>,
    %get3A_378 = vector.shape_cast %get3A_377 : vector<16xf32> to vector<16xf32>
    %get3A_379 = arith.constant 992 : index
    %get3A_380 = tpu.vector_load %arg8[%get3A_379] {strides = array<i32>} : memref<1056xf32, #tpu.memory_space<vmem>>, vector<16xf32>,
    %get3A_381 = vector.shape_cast %get3A_380 : vector<16xf32> to vector<16xf32>
    %sub3A_382 = arith.subf %get3A_372, %get3A_369 : vector<16xf32>
    %max3A_383 = arith.constant 0.000000e+00 : f32
    %max3A_384 = vector.broadcast %max3A_383 : f32 to vector<16xf32>
    %max3A_385 = arith.maximumf %sub3A_382, %max3A_384 : vector<16xf32>
    %mul3A_386 = arith.mulf %max3A_385, %get3A_378 : vector<16xf32>
    %sub3A_387 = arith.subf %get3A_369, %get3A_375 : vector<16xf32>
    %max3A_388 = arith.constant 0.000000e+00 : f32
    %max3A_389 = vector.broadcast %max3A_388 : f32 to vector<16xf32>
    %max3A_390 = arith.maximumf %sub3A_387, %max3A_389 : vector<16xf32>
    %mul3A_391 = arith.mulf %max3A_390, %get3A_381 : vector<16xf32>
    %add3A_392 = arith.addf %mul3A_386, %mul3A_391 : vector<16xf32>
    %abs3A_393 = math.absf %add3A_392 : vector<16xf32>
    %max3A_394 = arith.maximumf %max3A_364, %abs3A_393 : vector<16xf32>
    %add3A_395 = arith.constant 208 : i32
    %add3A_396 = arith.addi %mul3A_4, %add3A_395 : i32
    %get3A_397 = arith.index_cast %add3A_396 : i32 to index
    %get3A_398 = tpu.vector_load %arg7[%get3A_397] {strides = array<i32>} : memref<4096xf32, #tpu.memory_space<vmem>>, vector<16xf32>,
    %get3A_399 = vector.shape_cast %get3A_398 : vector<16xf32> to vector<16xf32>
    %get3A_400 = arith.constant 240 : index
    %get3A_401 = tpu.vector_load %arg8[%get3A_400] {strides = array<i32>} : memref<1056xf32, #tpu.memory_space<vmem>>, vector<16xf32>,
    %get3A_402 = vector.shape_cast %get3A_401 : vector<16xf32> to vector<16xf32>
    %get3A_403 = arith.constant 496 : index
    %get3A_404 = tpu.vector_load %arg8[%get3A_403] {strides = array<i32>} : memref<1056xf32, #tpu.memory_space<vmem>>, vector<16xf32>,
    %get3A_405 = vector.shape_cast %get3A_404 : vector<16xf32> to vector<16xf32>
    %get3A_406 = arith.constant 752 : index
    %get3A_407 = tpu.vector_load %arg8[%get3A_406] {strides = array<i32>} : memref<1056xf32, #tpu.memory_space<vmem>>, vector<16xf32>,
    %get3A_408 = vector.shape_cast %get3A_407 : vector<16xf32> to vector<16xf32>
    %get3A_409 = arith.constant 1008 : index
    %get3A_410 = tpu.vector_load %arg8[%get3A_409] {strides = array<i32>} : memref<1056xf32, #tpu.memory_space<vmem>>, vector<16xf32>,
    %get3A_411 = vector.shape_cast %get3A_410 : vector<16xf32> to vector<16xf32>
    %sub3A_412 = arith.subf %get3A_402, %get3A_399 : vector<16xf32>
    %max3A_413 = arith.constant 0.000000e+00 : f32
    %max3A_414 = vector.broadcast %max3A_413 : f32 to vector<16xf32>
    %max3A_415 = arith.maximumf %sub3A_412, %max3A_414 : vector<16xf32>
    %mul3A_416 = arith.mulf %max3A_415, %get3A_408 : vector<16xf32>
    %sub3A_417 = arith.subf %get3A_399, %get3A_405 : vector<16xf32>
    %max3A_418 = arith.constant 0.000000e+00 : f32
    %max3A_419 = vector.broadcast %max3A_418 : f32 to vector<16xf32>
    %max3A_420 = arith.maximumf %sub3A_417, %max3A_419 : vector<16xf32>
    %mul3A_421 = arith.mulf %max3A_420, %get3A_411 : vector<16xf32>
    %add3A_422 = arith.addf %mul3A_416, %mul3A_421 : vector<16xf32>
    %abs3A_423 = math.absf %add3A_422 : vector<16xf32>
    %max3A_424 = arith.maximumf %max3A_394, %abs3A_423 : vector<16xf32>
    %add3A_425 = arith.constant 224 : i32
    %add3A_426 = arith.addi %mul3A_4, %add3A_425 : i32
    %get3A_427 = arith.index_cast %add3A_426 : i32 to index
    %get3A_428 = tpu.vector_load %arg7[%get3A_427] {strides = array<i32>} : memref<4096xf32, #tpu.memory_space<vmem>>, vector<16xf32>,
    %get3A_429 = vector.shape_cast %get3A_428 : vector<16xf32> to vector<16xf32>
    %get3A_430 = arith.constant 256 : index
    %get3A_431 = tpu.vector_load %arg8[%get3A_430] {strides = array<i32>} : memref<1056xf32, #tpu.memory_space<vmem>>, vector<16xf32>,
    %get3A_432 = vector.shape_cast %get3A_431 : vector<16xf32> to vector<16xf32>
    %get3A_433 = arith.constant 512 : index
    %get3A_434 = tpu.vector_load %arg8[%get3A_433] {strides = array<i32>} : memref<1056xf32, #tpu.memory_space<vmem>>, vector<16xf32>,
    %get3A_435 = vector.shape_cast %get3A_434 : vector<16xf32> to vector<16xf32>
    %get3A_436 = arith.constant 768 : index
    %get3A_437 = tpu.vector_load %arg8[%get3A_436] {strides = array<i32>} : memref<1056xf32, #tpu.memory_space<vmem>>, vector<16xf32>,
    %get3A_438 = vector.shape_cast %get3A_437 : vector<16xf32> to vector<16xf32>
    %get3A_439 = arith.constant 1024 : index
    %get3A_440 = tpu.vector_load %arg8[%get3A_439] {strides = array<i32>} : memref<1056xf32, #tpu.memory_space<vmem>>, vector<16xf32>,
    %get3A_441 = vector.shape_cast %get3A_440 : vector<16xf32> to vector<16xf32>
    %sub3A_442 = arith.subf %get3A_432, %get3A_429 : vector<16xf32>
    %max3A_443 = arith.constant 0.000000e+00 : f32
    %max3A_444 = vector.broadcast %max3A_443 : f32 to vector<16xf32>
    %max3A_445 = arith.maximumf %sub3A_442, %max3A_444 : vector<16xf32>
    %mul3A_446 = arith.mulf %max3A_445, %get3A_438 : vector<16xf32>
    %sub3A_447 = arith.subf %get3A_429, %get3A_435 : vector<16xf32>
    %max3A_448 = arith.constant 0.000000e+00 : f32
    %max3A_449 = vector.broadcast %max3A_448 : f32 to vector<16xf32>
    %max3A_450 = arith.maximumf %sub3A_447, %max3A_449 : vector<16xf32>
    %mul3A_451 = arith.mulf %max3A_450, %get3A_441 : vector<16xf32>
    %add3A_452 = arith.addf %mul3A_446, %mul3A_451 : vector<16xf32>
    %abs3A_453 = math.absf %add3A_452 : vector<16xf32>
    %max3A_454 = arith.maximumf %max3A_424, %abs3A_453 : vector<16xf32>
    %add3A_455 = arith.constant 240 : i32
    %add3A_456 = arith.addi %mul3A_4, %add3A_455 : i32
    %get3A_457 = arith.index_cast %add3A_456 : i32 to index
    %get3A_458 = tpu.vector_load %arg7[%get3A_457] {strides = array<i32>} : memref<4096xf32, #tpu.memory_space<vmem>>, vector<16xf32>,
    %get3A_459 = vector.shape_cast %get3A_458 : vector<16xf32> to vector<16xf32>
    %get3A_460 = arith.constant 272 : index
    %get3A_461 = tpu.vector_load %arg8[%get3A_460] {strides = array<i32>} : memref<1056xf32, #tpu.memory_space<vmem>>, vector<16xf32>,
    %get3A_462 = vector.shape_cast %get3A_461 : vector<16xf32> to vector<16xf32>
    %get3A_463 = arith.constant 528 : index
    %get3A_464 = tpu.vector_load %arg8[%get3A_463] {strides = array<i32>} : memref<1056xf32, #tpu.memory_space<vmem>>, vector<16xf32>,
    %get3A_465 = vector.shape_cast %get3A_464 : vector<16xf32> to vector<16xf32>
    %get3A_466 = arith.constant 784 : index
    %get3A_467 = tpu.vector_load %arg8[%get3A_466] {strides = array<i32>} : memref<1056xf32, #tpu.memory_space<vmem>>, vector<16xf32>,
    %get3A_468 = vector.shape_cast %get3A_467 : vector<16xf32> to vector<16xf32>
    %get3A_469 = arith.constant 1040 : index
    %get3A_470 = tpu.vector_load %arg8[%get3A_469] {strides = array<i32>} : memref<1056xf32, #tpu.memory_space<vmem>>, vector<16xf32>,
    %get3A_471 = vector.shape_cast %get3A_470 : vector<16xf32> to vector<16xf32>
    %sub3A_472 = arith.subf %get3A_462, %get3A_459 : vector<16xf32>
    %max3A_473 = arith.constant 0.000000e+00 : f32
    %max3A_474 = vector.broadcast %max3A_473 : f32 to vector<16xf32>
    %max3A_475 = arith.maximumf %sub3A_472, %max3A_474 : vector<16xf32>
    %mul3A_476 = arith.mulf %max3A_475, %get3A_468 : vector<16xf32>
    %sub3A_477 = arith.subf %get3A_459, %get3A_465 : vector<16xf32>
    %max3A_478 = arith.constant 0.000000e+00 : f32
    %max3A_479 = vector.broadcast %max3A_478 : f32 to vector<16xf32>
    %max3A_480 = arith.maximumf %sub3A_477, %max3A_479 : vector<16xf32>
    %mul3A_481 = arith.mulf %max3A_480, %get3A_471 : vector<16xf32>
    %add3A_482 = arith.addf %mul3A_476, %mul3A_481 : vector<16xf32>
    %abs3A_483 = math.absf %add3A_482 : vector<16xf32>
    %max3A_484 = arith.maximumf %max3A_454, %abs3A_483 : vector<16xf32>
    %dma_wait3A = arith.constant 0 : i32
    %dma_wait3A_485 = tpu.memref_slice %arg2[%mul3A_2, %dma_wait3A] : memref<4096x4096xf32, #tpu.memory_space<hbm>> -> memref<16x4096xf32, #tpu.memory_space<hbm>>
    %dma_wait3A_486 = arith.constant 0 : i32
    %dma_wait3A_487 = tpu.memref_slice %arg2[%mul3A_2, %dma_wait3A_486] : memref<4096x4096xf32, #tpu.memory_space<hbm>> -> memref<16x4096xf32, #tpu.memory_space<hbm>>
    tpu.wait_dma2 semaphore(%arg10 : memref<!tpu.dma_semaphore, #tpu.memory_space<semaphore_mem>>) src(%dma_wait3A_487 : memref<16x4096xf32, #tpu.memory_space<hbm>>) dst(%arg6 : memref<16x4096xf32, #tpu.memory_space<vmem>>)
    %parallel_loop3A = arith.constant 0 : i32
    %parallel_loop3A_488 = arith.constant 4096 : i32
    %parallel_loop3A_489 = arith.constant 16 : i32
    %parallel_loop3A_490:8 = scf.for %parallel_loop3A_1485 = %parallel_loop3A to %parallel_loop3A_488 step %parallel_loop3A_489 iter_args(%parallel_loop3A_1486 = %broadcast_in_dim3A_8, %parallel_loop3A_1487 = %broadcast_in_dim3A_8, %parallel_loop3A_1488 = %broadcast_in_dim3A_8, %parallel_loop3A_1489 = %broadcast_in_dim3A_8, %parallel_loop3A_1490 = %broadcast_in_dim3A_8, %parallel_loop3A_1491 = %broadcast_in_dim3A_8, %parallel_loop3A_1492 = %broadcast_in_dim3A_8, %parallel_loop3A_1493 = %broadcast_in_dim3A_8) -> (vector<16xf32>, vector<16xf32>, vector<16xf32>, vector<16xf32>, vector<16xf32>, vector<16xf32>, vector<16xf32>, vector<16xf32>)  : i32 {
      %parallel_loop3A_1494 = arith.index_cast %parallel_loop3A_1485 : i32 to index
      %parallel_loop3A_1495 = tpu.vector_load %arg7[%parallel_loop3A_1494] {strides = array<i32>} : memref<4096xf32, #tpu.memory_space<vmem>>, vector<16xf32>,
      %parallel_loop3A_1496 = vector.shape_cast %parallel_loop3A_1495 : vector<16xf32> to vector<16xf32>
      %parallel_loop3A_1497 = arith.constant 0 : i32
      %parallel_loop3A_1498 = arith.index_cast %parallel_loop3A_1497 : i32 to index
      %parallel_loop3A_1499 = arith.index_cast %parallel_loop3A_1485 : i32 to index
      %parallel_loop3A_1500 = tpu.vector_load %arg6[%parallel_loop3A_1498, %parallel_loop3A_1499] {strides = array<i32>} : memref<16x4096xf32, #tpu.memory_space<vmem>>, vector<1x16xf32>,
      %parallel_loop3A_1501 = vector.shape_cast %parallel_loop3A_1500 : vector<1x16xf32> to vector<16xf32>
      %parallel_loop3A_1502 = arith.mulf %parallel_loop3A_1501, %parallel_loop3A_1496 : vector<16xf32>
      %parallel_loop3A_1503 = arith.addf %parallel_loop3A_1486, %parallel_loop3A_1502 : vector<16xf32>
      %parallel_loop3A_1504 = arith.constant 1 : i32
      %parallel_loop3A_1505 = arith.index_cast %parallel_loop3A_1504 : i32 to index
      %parallel_loop3A_1506 = arith.index_cast %parallel_loop3A_1485 : i32 to index
      %parallel_loop3A_1507 = tpu.vector_load %arg6[%parallel_loop3A_1505, %parallel_loop3A_1506] {strides = array<i32>} : memref<16x4096xf32, #tpu.memory_space<vmem>>, vector<1x16xf32>,
      %parallel_loop3A_1508 = vector.shape_cast %parallel_loop3A_1507 : vector<1x16xf32> to vector<16xf32>
      %parallel_loop3A_1509 = arith.mulf %parallel_loop3A_1508, %parallel_loop3A_1496 : vector<16xf32>
      %parallel_loop3A_1510 = arith.addf %parallel_loop3A_1487, %parallel_loop3A_1509 : vector<16xf32>
      %parallel_loop3A_1511 = arith.constant 2 : i32
      %parallel_loop3A_1512 = arith.index_cast %parallel_loop3A_1511 : i32 to index
      %parallel_loop3A_1513 = arith.index_cast %parallel_loop3A_1485 : i32 to index
      %parallel_loop3A_1514 = tpu.vector_load %arg6[%parallel_loop3A_1512, %parallel_loop3A_1513] {strides = array<i32>} : memref<16x4096xf32, #tpu.memory_space<vmem>>, vector<1x16xf32>,
      %parallel_loop3A_1515 = vector.shape_cast %parallel_loop3A_1514 : vector<1x16xf32> to vector<16xf32>
      %parallel_loop3A_1516 = arith.mulf %parallel_loop3A_1515, %parallel_loop3A_1496 : vector<16xf32>
      %parallel_loop3A_1517 = arith.addf %parallel_loop3A_1488, %parallel_loop3A_1516 : vector<16xf32>
      %parallel_loop3A_1518 = arith.constant 3 : i32
      %parallel_loop3A_1519 = arith.index_cast %parallel_loop3A_1518 : i32 to index
      %parallel_loop3A_1520 = arith.index_cast %parallel_loop3A_1485 : i32 to index
      %parallel_loop3A_1521 = tpu.vector_load %arg6[%parallel_loop3A_1519, %parallel_loop3A_1520] {strides = array<i32>} : memref<16x4096xf32, #tpu.memory_space<vmem>>, vector<1x16xf32>,
      %parallel_loop3A_1522 = vector.shape_cast %parallel_loop3A_1521 : vector<1x16xf32> to vector<16xf32>
      %parallel_loop3A_1523 = arith.mulf %parallel_loop3A_1522, %parallel_loop3A_1496 : vector<16xf32>
      %parallel_loop3A_1524 = arith.addf %parallel_loop3A_1489, %parallel_loop3A_1523 : vector<16xf32>
      %parallel_loop3A_1525 = arith.constant 4 : i32
      %parallel_loop3A_1526 = arith.index_cast %parallel_loop3A_1525 : i32 to index
      %parallel_loop3A_1527 = arith.index_cast %parallel_loop3A_1485 : i32 to index
      %parallel_loop3A_1528 = tpu.vector_load %arg6[%parallel_loop3A_1526, %parallel_loop3A_1527] {strides = array<i32>} : memref<16x4096xf32, #tpu.memory_space<vmem>>, vector<1x16xf32>,
      %parallel_loop3A_1529 = vector.shape_cast %parallel_loop3A_1528 : vector<1x16xf32> to vector<16xf32>
      %parallel_loop3A_1530 = arith.mulf %parallel_loop3A_1529, %parallel_loop3A_1496 : vector<16xf32>
      %parallel_loop3A_1531 = arith.addf %parallel_loop3A_1490, %parallel_loop3A_1530 : vector<16xf32>
      %parallel_loop3A_1532 = arith.constant 5 : i32
      %parallel_loop3A_1533 = arith.index_cast %parallel_loop3A_1532 : i32 to index
      %parallel_loop3A_1534 = arith.index_cast %parallel_loop3A_1485 : i32 to index
      %parallel_loop3A_1535 = tpu.vector_load %arg6[%parallel_loop3A_1533, %parallel_loop3A_1534] {strides = array<i32>} : memref<16x4096xf32, #tpu.memory_space<vmem>>, vector<1x16xf32>,
      %parallel_loop3A_1536 = vector.shape_cast %parallel_loop3A_1535 : vector<1x16xf32> to vector<16xf32>
      %parallel_loop3A_1537 = arith.mulf %parallel_loop3A_1536, %parallel_loop3A_1496 : vector<16xf32>
      %parallel_loop3A_1538 = arith.addf %parallel_loop3A_1491, %parallel_loop3A_1537 : vector<16xf32>
      %parallel_loop3A_1539 = arith.constant 6 : i32
      %parallel_loop3A_1540 = arith.index_cast %parallel_loop3A_1539 : i32 to index
      %parallel_loop3A_1541 = arith.index_cast %parallel_loop3A_1485 : i32 to index
      %parallel_loop3A_1542 = tpu.vector_load %arg6[%parallel_loop3A_1540, %parallel_loop3A_1541] {strides = array<i32>} : memref<16x4096xf32, #tpu.memory_space<vmem>>, vector<1x16xf32>,
      %parallel_loop3A_1543 = vector.shape_cast %parallel_loop3A_1542 : vector<1x16xf32> to vector<16xf32>
      %parallel_loop3A_1544 = arith.mulf %parallel_loop3A_1543, %parallel_loop3A_1496 : vector<16xf32>
      %parallel_loop3A_1545 = arith.addf %parallel_loop3A_1492, %parallel_loop3A_1544 : vector<16xf32>
      %parallel_loop3A_1546 = arith.constant 7 : i32
      %parallel_loop3A_1547 = arith.index_cast %parallel_loop3A_1546 : i32 to index
      %parallel_loop3A_1548 = arith.index_cast %parallel_loop3A_1485 : i32 to index
      %parallel_loop3A_1549 = tpu.vector_load %arg6[%parallel_loop3A_1547, %parallel_loop3A_1548] {strides = array<i32>} : memref<16x4096xf32, #tpu.memory_space<vmem>>, vector<1x16xf32>,
      %parallel_loop3A_1550 = vector.shape_cast %parallel_loop3A_1549 : vector<1x16xf32> to vector<16xf32>
      %parallel_loop3A_1551 = arith.mulf %parallel_loop3A_1550, %parallel_loop3A_1496 : vector<16xf32>
      %parallel_loop3A_1552 = arith.addf %parallel_loop3A_1493, %parallel_loop3A_1551 : vector<16xf32>
      scf.yield %parallel_loop3A_1503, %parallel_loop3A_1510, %parallel_loop3A_1517, %parallel_loop3A_1524, %parallel_loop3A_1531, %parallel_loop3A_1538, %parallel_loop3A_1545, %parallel_loop3A_1552 : vector<16xf32>, vector<16xf32>, vector<16xf32>, vector<16xf32>, vector<16xf32>, vector<16xf32>, vector<16xf32>, vector<16xf32>
    } {sc.loop_unroll_factor = 4 : i64, sc.parallel_access}
    %xor3A = arith.constant 8 : i32
    %xor3A_491 = vector.broadcast %xor3A : i32 to vector<16xi32>
    %xor3A_492 = arith.xori %iota3A, %xor3A_491 : vector<16xi32>
    %lt3A = arith.constant 0 : i32
    %lt3A_493 = vector.broadcast %lt3A : i32 to vector<16xi32>
    %lt3A_494 = arith.cmpi slt, %xor3A_492, %lt3A_493 : vector<16xi32>
    %add3A_495 = arith.constant 16 : i32
    %add3A_496 = vector.broadcast %add3A_495 : i32 to vector<16xi32>
    %add3A_497 = arith.addi %xor3A_492, %add3A_496 : vector<16xi32>
    %select_n3A = arith.select %lt3A_494, %add3A_497, %xor3A_492 : vector<16xi1>, vector<16xi32>
    %broadcast_in_dim3A_498 = vector.shape_cast %select_n3A : vector<16xi32> to vector<16x1xi32>
    %gather3A = vector.shape_cast %broadcast_in_dim3A_498 : vector<16x1xi32> to vector<16xi32>
    %gather3A_499 = tpu.dynamic_gather %parallel_loop3A_490#0[%gather3A] in [0] : vector<16xf32>, vector<16xi32> -> vector<16xf32>
    %add3A_500 = arith.addf %parallel_loop3A_490#0, %gather3A_499 : vector<16xf32>
    %xor3A_501 = arith.constant 4 : i32
    %xor3A_502 = vector.broadcast %xor3A_501 : i32 to vector<16xi32>
    %xor3A_503 = arith.xori %iota3A, %xor3A_502 : vector<16xi32>
    %lt3A_504 = arith.constant 0 : i32
    %lt3A_505 = vector.broadcast %lt3A_504 : i32 to vector<16xi32>
    %lt3A_506 = arith.cmpi slt, %xor3A_503, %lt3A_505 : vector<16xi32>
    %add3A_507 = arith.constant 16 : i32
    %add3A_508 = vector.broadcast %add3A_507 : i32 to vector<16xi32>
    %add3A_509 = arith.addi %xor3A_503, %add3A_508 : vector<16xi32>
    %select_n3A_510 = arith.select %lt3A_506, %add3A_509, %xor3A_503 : vector<16xi1>, vector<16xi32>
    %broadcast_in_dim3A_511 = vector.shape_cast %select_n3A_510 : vector<16xi32> to vector<16x1xi32>
    %gather3A_512 = vector.shape_cast %broadcast_in_dim3A_511 : vector<16x1xi32> to vector<16xi32>
    %gather3A_513 = tpu.dynamic_gather %add3A_500[%gather3A_512] in [0] : vector<16xf32>, vector<16xi32> -> vector<16xf32>
    %add3A_514 = arith.addf %add3A_500, %gather3A_513 : vector<16xf32>
    %xor3A_515 = arith.constant 2 : i32
    %xor3A_516 = vector.broadcast %xor3A_515 : i32 to vector<16xi32>
    %xor3A_517 = arith.xori %iota3A, %xor3A_516 : vector<16xi32>
    %lt3A_518 = arith.constant 0 : i32
    %lt3A_519 = vector.broadcast %lt3A_518 : i32 to vector<16xi32>
    %lt3A_520 = arith.cmpi slt, %xor3A_517, %lt3A_519 : vector<16xi32>
    %add3A_521 = arith.constant 16 : i32
    %add3A_522 = vector.broadcast %add3A_521 : i32 to vector<16xi32>
    %add3A_523 = arith.addi %xor3A_517, %add3A_522 : vector<16xi32>
    %select_n3A_524 = arith.select %lt3A_520, %add3A_523, %xor3A_517 : vector<16xi1>, vector<16xi32>
    %broadcast_in_dim3A_525 = vector.shape_cast %select_n3A_524 : vector<16xi32> to vector<16x1xi32>
    %gather3A_526 = vector.shape_cast %broadcast_in_dim3A_525 : vector<16x1xi32> to vector<16xi32>
    %gather3A_527 = tpu.dynamic_gather %add3A_514[%gather3A_526] in [0] : vector<16xf32>, vector<16xi32> -> vector<16xf32>
    %add3A_528 = arith.addf %add3A_514, %gather3A_527 : vector<16xf32>
    %xor3A_529 = arith.constant 1 : i32
    %xor3A_530 = vector.broadcast %xor3A_529 : i32 to vector<16xi32>
    %xor3A_531 = arith.xori %iota3A, %xor3A_530 : vector<16xi32>
    %lt3A_532 = arith.constant 0 : i32
    %lt3A_533 = vector.broadcast %lt3A_532 : i32 to vector<16xi32>
    %lt3A_534 = arith.cmpi slt, %xor3A_531, %lt3A_533 : vector<16xi32>
    %add3A_535 = arith.constant 16 : i32
    %add3A_536 = vector.broadcast %add3A_535 : i32 to vector<16xi32>
    %add3A_537 = arith.addi %xor3A_531, %add3A_536 : vector<16xi32>
    %select_n3A_538 = arith.select %lt3A_534, %add3A_537, %xor3A_531 : vector<16xi1>, vector<16xi32>
    %broadcast_in_dim3A_539 = vector.shape_cast %select_n3A_538 : vector<16xi32> to vector<16x1xi32>
    %gather3A_540 = vector.shape_cast %broadcast_in_dim3A_539 : vector<16x1xi32> to vector<16xi32>
    %gather3A_541 = tpu.dynamic_gather %add3A_528[%gather3A_540] in [0] : vector<16xf32>, vector<16xi32> -> vector<16xf32>
    %add3A_542 = arith.addf %add3A_528, %gather3A_541 : vector<16xf32>
    %eq3A = arith.constant 0 : i32
    %eq3A_543 = vector.broadcast %eq3A : i32 to vector<16xi32>
    %eq3A_544 = arith.cmpi eq, %iota3A, %eq3A_543 : vector<16xi32>
    %select_n3A_545 = arith.select %eq3A_544, %add3A_542, %broadcast_in_dim3A_8 : vector<16xi1>, vector<16xf32>
    %xor3A_546 = arith.constant 8 : i32
    %xor3A_547 = vector.broadcast %xor3A_546 : i32 to vector<16xi32>
    %xor3A_548 = arith.xori %iota3A, %xor3A_547 : vector<16xi32>
    %lt3A_549 = arith.constant 0 : i32
    %lt3A_550 = vector.broadcast %lt3A_549 : i32 to vector<16xi32>
    %lt3A_551 = arith.cmpi slt, %xor3A_548, %lt3A_550 : vector<16xi32>
    %add3A_552 = arith.constant 16 : i32
    %add3A_553 = vector.broadcast %add3A_552 : i32 to vector<16xi32>
    %add3A_554 = arith.addi %xor3A_548, %add3A_553 : vector<16xi32>
    %select_n3A_555 = arith.select %lt3A_551, %add3A_554, %xor3A_548 : vector<16xi1>, vector<16xi32>
    %broadcast_in_dim3A_556 = vector.shape_cast %select_n3A_555 : vector<16xi32> to vector<16x1xi32>
    %gather3A_557 = vector.shape_cast %broadcast_in_dim3A_556 : vector<16x1xi32> to vector<16xi32>
    %gather3A_558 = tpu.dynamic_gather %parallel_loop3A_490#1[%gather3A_557] in [0] : vector<16xf32>, vector<16xi32> -> vector<16xf32>
    %add3A_559 = arith.addf %parallel_loop3A_490#1, %gather3A_558 : vector<16xf32>
    %xor3A_560 = arith.constant 4 : i32
    %xor3A_561 = vector.broadcast %xor3A_560 : i32 to vector<16xi32>
    %xor3A_562 = arith.xori %iota3A, %xor3A_561 : vector<16xi32>
    %lt3A_563 = arith.constant 0 : i32
    %lt3A_564 = vector.broadcast %lt3A_563 : i32 to vector<16xi32>
    %lt3A_565 = arith.cmpi slt, %xor3A_562, %lt3A_564 : vector<16xi32>
    %add3A_566 = arith.constant 16 : i32
    %add3A_567 = vector.broadcast %add3A_566 : i32 to vector<16xi32>
    %add3A_568 = arith.addi %xor3A_562, %add3A_567 : vector<16xi32>
    %select_n3A_569 = arith.select %lt3A_565, %add3A_568, %xor3A_562 : vector<16xi1>, vector<16xi32>
    %broadcast_in_dim3A_570 = vector.shape_cast %select_n3A_569 : vector<16xi32> to vector<16x1xi32>
    %gather3A_571 = vector.shape_cast %broadcast_in_dim3A_570 : vector<16x1xi32> to vector<16xi32>
    %gather3A_572 = tpu.dynamic_gather %add3A_559[%gather3A_571] in [0] : vector<16xf32>, vector<16xi32> -> vector<16xf32>
    %add3A_573 = arith.addf %add3A_559, %gather3A_572 : vector<16xf32>
    %xor3A_574 = arith.constant 2 : i32
    %xor3A_575 = vector.broadcast %xor3A_574 : i32 to vector<16xi32>
    %xor3A_576 = arith.xori %iota3A, %xor3A_575 : vector<16xi32>
    %lt3A_577 = arith.constant 0 : i32
    %lt3A_578 = vector.broadcast %lt3A_577 : i32 to vector<16xi32>
    %lt3A_579 = arith.cmpi slt, %xor3A_576, %lt3A_578 : vector<16xi32>
    %add3A_580 = arith.constant 16 : i32
    %add3A_581 = vector.broadcast %add3A_580 : i32 to vector<16xi32>
    %add3A_582 = arith.addi %xor3A_576, %add3A_581 : vector<16xi32>
    %select_n3A_583 = arith.select %lt3A_579, %add3A_582, %xor3A_576 : vector<16xi1>, vector<16xi32>
    %broadcast_in_dim3A_584 = vector.shape_cast %select_n3A_583 : vector<16xi32> to vector<16x1xi32>
    %gather3A_585 = vector.shape_cast %broadcast_in_dim3A_584 : vector<16x1xi32> to vector<16xi32>
    %gather3A_586 = tpu.dynamic_gather %add3A_573[%gather3A_585] in [0] : vector<16xf32>, vector<16xi32> -> vector<16xf32>
    %add3A_587 = arith.addf %add3A_573, %gather3A_586 : vector<16xf32>
    %xor3A_588 = arith.constant 1 : i32
    %xor3A_589 = vector.broadcast %xor3A_588 : i32 to vector<16xi32>
    %xor3A_590 = arith.xori %iota3A, %xor3A_589 : vector<16xi32>
    %lt3A_591 = arith.constant 0 : i32
    %lt3A_592 = vector.broadcast %lt3A_591 : i32 to vector<16xi32>
    %lt3A_593 = arith.cmpi slt, %xor3A_590, %lt3A_592 : vector<16xi32>
    %add3A_594 = arith.constant 16 : i32
    %add3A_595 = vector.broadcast %add3A_594 : i32 to vector<16xi32>
    %add3A_596 = arith.addi %xor3A_590, %add3A_595 : vector<16xi32>
    %select_n3A_597 = arith.select %lt3A_593, %add3A_596, %xor3A_590 : vector<16xi1>, vector<16xi32>
    %broadcast_in_dim3A_598 = vector.shape_cast %select_n3A_597 : vector<16xi32> to vector<16x1xi32>
    %gather3A_599 = vector.shape_cast %broadcast_in_dim3A_598 : vector<16x1xi32> to vector<16xi32>
    %gather3A_600 = tpu.dynamic_gather %add3A_587[%gather3A_599] in [0] : vector<16xf32>, vector<16xi32> -> vector<16xf32>
    %add3A_601 = arith.addf %add3A_587, %gather3A_600 : vector<16xf32>
    %eq3A_602 = arith.constant 1 : i32
    %eq3A_603 = vector.broadcast %eq3A_602 : i32 to vector<16xi32>
    %eq3A_604 = arith.cmpi eq, %iota3A, %eq3A_603 : vector<16xi32>
    %select_n3A_605 = arith.select %eq3A_604, %add3A_601, %select_n3A_545 : vector<16xi1>, vector<16xf32>
    %xor3A_606 = arith.constant 8 : i32
    %xor3A_607 = vector.broadcast %xor3A_606 : i32 to vector<16xi32>
    %xor3A_608 = arith.xori %iota3A, %xor3A_607 : vector<16xi32>
    %lt3A_609 = arith.constant 0 : i32
    %lt3A_610 = vector.broadcast %lt3A_609 : i32 to vector<16xi32>
    %lt3A_611 = arith.cmpi slt, %xor3A_608, %lt3A_610 : vector<16xi32>
    %add3A_612 = arith.constant 16 : i32
    %add3A_613 = vector.broadcast %add3A_612 : i32 to vector<16xi32>
    %add3A_614 = arith.addi %xor3A_608, %add3A_613 : vector<16xi32>
    %select_n3A_615 = arith.select %lt3A_611, %add3A_614, %xor3A_608 : vector<16xi1>, vector<16xi32>
    %broadcast_in_dim3A_616 = vector.shape_cast %select_n3A_615 : vector<16xi32> to vector<16x1xi32>
    %gather3A_617 = vector.shape_cast %broadcast_in_dim3A_616 : vector<16x1xi32> to vector<16xi32>
    %gather3A_618 = tpu.dynamic_gather %parallel_loop3A_490#2[%gather3A_617] in [0] : vector<16xf32>, vector<16xi32> -> vector<16xf32>
    %add3A_619 = arith.addf %parallel_loop3A_490#2, %gather3A_618 : vector<16xf32>
    %xor3A_620 = arith.constant 4 : i32
    %xor3A_621 = vector.broadcast %xor3A_620 : i32 to vector<16xi32>
    %xor3A_622 = arith.xori %iota3A, %xor3A_621 : vector<16xi32>
    %lt3A_623 = arith.constant 0 : i32
    %lt3A_624 = vector.broadcast %lt3A_623 : i32 to vector<16xi32>
    %lt3A_625 = arith.cmpi slt, %xor3A_622, %lt3A_624 : vector<16xi32>
    %add3A_626 = arith.constant 16 : i32
    %add3A_627 = vector.broadcast %add3A_626 : i32 to vector<16xi32>
    %add3A_628 = arith.addi %xor3A_622, %add3A_627 : vector<16xi32>
    %select_n3A_629 = arith.select %lt3A_625, %add3A_628, %xor3A_622 : vector<16xi1>, vector<16xi32>
    %broadcast_in_dim3A_630 = vector.shape_cast %select_n3A_629 : vector<16xi32> to vector<16x1xi32>
    %gather3A_631 = vector.shape_cast %broadcast_in_dim3A_630 : vector<16x1xi32> to vector<16xi32>
    %gather3A_632 = tpu.dynamic_gather %add3A_619[%gather3A_631] in [0] : vector<16xf32>, vector<16xi32> -> vector<16xf32>
    %add3A_633 = arith.addf %add3A_619, %gather3A_632 : vector<16xf32>
    %xor3A_634 = arith.constant 2 : i32
    %xor3A_635 = vector.broadcast %xor3A_634 : i32 to vector<16xi32>
    %xor3A_636 = arith.xori %iota3A, %xor3A_635 : vector<16xi32>
    %lt3A_637 = arith.constant 0 : i32
    %lt3A_638 = vector.broadcast %lt3A_637 : i32 to vector<16xi32>
    %lt3A_639 = arith.cmpi slt, %xor3A_636, %lt3A_638 : vector<16xi32>
    %add3A_640 = arith.constant 16 : i32
    %add3A_641 = vector.broadcast %add3A_640 : i32 to vector<16xi32>
    %add3A_642 = arith.addi %xor3A_636, %add3A_641 : vector<16xi32>
    %select_n3A_643 = arith.select %lt3A_639, %add3A_642, %xor3A_636 : vector<16xi1>, vector<16xi32>
    %broadcast_in_dim3A_644 = vector.shape_cast %select_n3A_643 : vector<16xi32> to vector<16x1xi32>
    %gather3A_645 = vector.shape_cast %broadcast_in_dim3A_644 : vector<16x1xi32> to vector<16xi32>
    %gather3A_646 = tpu.dynamic_gather %add3A_633[%gather3A_645] in [0] : vector<16xf32>, vector<16xi32> -> vector<16xf32>
    %add3A_647 = arith.addf %add3A_633, %gather3A_646 : vector<16xf32>
    %xor3A_648 = arith.constant 1 : i32
    %xor3A_649 = vector.broadcast %xor3A_648 : i32 to vector<16xi32>
    %xor3A_650 = arith.xori %iota3A, %xor3A_649 : vector<16xi32>
    %lt3A_651 = arith.constant 0 : i32
    %lt3A_652 = vector.broadcast %lt3A_651 : i32 to vector<16xi32>
    %lt3A_653 = arith.cmpi slt, %xor3A_650, %lt3A_652 : vector<16xi32>
    %add3A_654 = arith.constant 16 : i32
    %add3A_655 = vector.broadcast %add3A_654 : i32 to vector<16xi32>
    %add3A_656 = arith.addi %xor3A_650, %add3A_655 : vector<16xi32>
    %select_n3A_657 = arith.select %lt3A_653, %add3A_656, %xor3A_650 : vector<16xi1>, vector<16xi32>
    %broadcast_in_dim3A_658 = vector.shape_cast %select_n3A_657 : vector<16xi32> to vector<16x1xi32>
    %gather3A_659 = vector.shape_cast %broadcast_in_dim3A_658 : vector<16x1xi32> to vector<16xi32>
    %gather3A_660 = tpu.dynamic_gather %add3A_647[%gather3A_659] in [0] : vector<16xf32>, vector<16xi32> -> vector<16xf32>
    %add3A_661 = arith.addf %add3A_647, %gather3A_660 : vector<16xf32>
    %eq3A_662 = arith.constant 2 : i32
    %eq3A_663 = vector.broadcast %eq3A_662 : i32 to vector<16xi32>
    %eq3A_664 = arith.cmpi eq, %iota3A, %eq3A_663 : vector<16xi32>
    %select_n3A_665 = arith.select %eq3A_664, %add3A_661, %select_n3A_605 : vector<16xi1>, vector<16xf32>
    %xor3A_666 = arith.constant 8 : i32
    %xor3A_667 = vector.broadcast %xor3A_666 : i32 to vector<16xi32>
    %xor3A_668 = arith.xori %iota3A, %xor3A_667 : vector<16xi32>
    %lt3A_669 = arith.constant 0 : i32
    %lt3A_670 = vector.broadcast %lt3A_669 : i32 to vector<16xi32>
    %lt3A_671 = arith.cmpi slt, %xor3A_668, %lt3A_670 : vector<16xi32>
    %add3A_672 = arith.constant 16 : i32
    %add3A_673 = vector.broadcast %add3A_672 : i32 to vector<16xi32>
    %add3A_674 = arith.addi %xor3A_668, %add3A_673 : vector<16xi32>
    %select_n3A_675 = arith.select %lt3A_671, %add3A_674, %xor3A_668 : vector<16xi1>, vector<16xi32>
    %broadcast_in_dim3A_676 = vector.shape_cast %select_n3A_675 : vector<16xi32> to vector<16x1xi32>
    %gather3A_677 = vector.shape_cast %broadcast_in_dim3A_676 : vector<16x1xi32> to vector<16xi32>
    %gather3A_678 = tpu.dynamic_gather %parallel_loop3A_490#3[%gather3A_677] in [0] : vector<16xf32>, vector<16xi32> -> vector<16xf32>
    %add3A_679 = arith.addf %parallel_loop3A_490#3, %gather3A_678 : vector<16xf32>
    %xor3A_680 = arith.constant 4 : i32
    %xor3A_681 = vector.broadcast %xor3A_680 : i32 to vector<16xi32>
    %xor3A_682 = arith.xori %iota3A, %xor3A_681 : vector<16xi32>
    %lt3A_683 = arith.constant 0 : i32
    %lt3A_684 = vector.broadcast %lt3A_683 : i32 to vector<16xi32>
    %lt3A_685 = arith.cmpi slt, %xor3A_682, %lt3A_684 : vector<16xi32>
    %add3A_686 = arith.constant 16 : i32
    %add3A_687 = vector.broadcast %add3A_686 : i32 to vector<16xi32>
    %add3A_688 = arith.addi %xor3A_682, %add3A_687 : vector<16xi32>
    %select_n3A_689 = arith.select %lt3A_685, %add3A_688, %xor3A_682 : vector<16xi1>, vector<16xi32>
    %broadcast_in_dim3A_690 = vector.shape_cast %select_n3A_689 : vector<16xi32> to vector<16x1xi32>
    %gather3A_691 = vector.shape_cast %broadcast_in_dim3A_690 : vector<16x1xi32> to vector<16xi32>
    %gather3A_692 = tpu.dynamic_gather %add3A_679[%gather3A_691] in [0] : vector<16xf32>, vector<16xi32> -> vector<16xf32>
    %add3A_693 = arith.addf %add3A_679, %gather3A_692 : vector<16xf32>
    %xor3A_694 = arith.constant 2 : i32
    %xor3A_695 = vector.broadcast %xor3A_694 : i32 to vector<16xi32>
    %xor3A_696 = arith.xori %iota3A, %xor3A_695 : vector<16xi32>
    %lt3A_697 = arith.constant 0 : i32
    %lt3A_698 = vector.broadcast %lt3A_697 : i32 to vector<16xi32>
    %lt3A_699 = arith.cmpi slt, %xor3A_696, %lt3A_698 : vector<16xi32>
    %add3A_700 = arith.constant 16 : i32
    %add3A_701 = vector.broadcast %add3A_700 : i32 to vector<16xi32>
    %add3A_702 = arith.addi %xor3A_696, %add3A_701 : vector<16xi32>
    %select_n3A_703 = arith.select %lt3A_699, %add3A_702, %xor3A_696 : vector<16xi1>, vector<16xi32>
    %broadcast_in_dim3A_704 = vector.shape_cast %select_n3A_703 : vector<16xi32> to vector<16x1xi32>
    %gather3A_705 = vector.shape_cast %broadcast_in_dim3A_704 : vector<16x1xi32> to vector<16xi32>
    %gather3A_706 = tpu.dynamic_gather %add3A_693[%gather3A_705] in [0] : vector<16xf32>, vector<16xi32> -> vector<16xf32>
    %add3A_707 = arith.addf %add3A_693, %gather3A_706 : vector<16xf32>
    %xor3A_708 = arith.constant 1 : i32
    %xor3A_709 = vector.broadcast %xor3A_708 : i32 to vector<16xi32>
    %xor3A_710 = arith.xori %iota3A, %xor3A_709 : vector<16xi32>
    %lt3A_711 = arith.constant 0 : i32
    %lt3A_712 = vector.broadcast %lt3A_711 : i32 to vector<16xi32>
    %lt3A_713 = arith.cmpi slt, %xor3A_710, %lt3A_712 : vector<16xi32>
    %add3A_714 = arith.constant 16 : i32
    %add3A_715 = vector.broadcast %add3A_714 : i32 to vector<16xi32>
    %add3A_716 = arith.addi %xor3A_710, %add3A_715 : vector<16xi32>
    %select_n3A_717 = arith.select %lt3A_713, %add3A_716, %xor3A_710 : vector<16xi1>, vector<16xi32>
    %broadcast_in_dim3A_718 = vector.shape_cast %select_n3A_717 : vector<16xi32> to vector<16x1xi32>
    %gather3A_719 = vector.shape_cast %broadcast_in_dim3A_718 : vector<16x1xi32> to vector<16xi32>
    %gather3A_720 = tpu.dynamic_gather %add3A_707[%gather3A_719] in [0] : vector<16xf32>, vector<16xi32> -> vector<16xf32>
    %add3A_721 = arith.addf %add3A_707, %gather3A_720 : vector<16xf32>
    %eq3A_722 = arith.constant 3 : i32
    %eq3A_723 = vector.broadcast %eq3A_722 : i32 to vector<16xi32>
    %eq3A_724 = arith.cmpi eq, %iota3A, %eq3A_723 : vector<16xi32>
    %select_n3A_725 = arith.select %eq3A_724, %add3A_721, %select_n3A_665 : vector<16xi1>, vector<16xf32>
    %xor3A_726 = arith.constant 8 : i32
    %xor3A_727 = vector.broadcast %xor3A_726 : i32 to vector<16xi32>
    %xor3A_728 = arith.xori %iota3A, %xor3A_727 : vector<16xi32>
    %lt3A_729 = arith.constant 0 : i32
    %lt3A_730 = vector.broadcast %lt3A_729 : i32 to vector<16xi32>
    %lt3A_731 = arith.cmpi slt, %xor3A_728, %lt3A_730 : vector<16xi32>
    %add3A_732 = arith.constant 16 : i32
    %add3A_733 = vector.broadcast %add3A_732 : i32 to vector<16xi32>
    %add3A_734 = arith.addi %xor3A_728, %add3A_733 : vector<16xi32>
    %select_n3A_735 = arith.select %lt3A_731, %add3A_734, %xor3A_728 : vector<16xi1>, vector<16xi32>
    %broadcast_in_dim3A_736 = vector.shape_cast %select_n3A_735 : vector<16xi32> to vector<16x1xi32>
    %gather3A_737 = vector.shape_cast %broadcast_in_dim3A_736 : vector<16x1xi32> to vector<16xi32>
    %gather3A_738 = tpu.dynamic_gather %parallel_loop3A_490#4[%gather3A_737] in [0] : vector<16xf32>, vector<16xi32> -> vector<16xf32>
    %add3A_739 = arith.addf %parallel_loop3A_490#4, %gather3A_738 : vector<16xf32>
    %xor3A_740 = arith.constant 4 : i32
    %xor3A_741 = vector.broadcast %xor3A_740 : i32 to vector<16xi32>
    %xor3A_742 = arith.xori %iota3A, %xor3A_741 : vector<16xi32>
    %lt3A_743 = arith.constant 0 : i32
    %lt3A_744 = vector.broadcast %lt3A_743 : i32 to vector<16xi32>
    %lt3A_745 = arith.cmpi slt, %xor3A_742, %lt3A_744 : vector<16xi32>
    %add3A_746 = arith.constant 16 : i32
    %add3A_747 = vector.broadcast %add3A_746 : i32 to vector<16xi32>
    %add3A_748 = arith.addi %xor3A_742, %add3A_747 : vector<16xi32>
    %select_n3A_749 = arith.select %lt3A_745, %add3A_748, %xor3A_742 : vector<16xi1>, vector<16xi32>
    %broadcast_in_dim3A_750 = vector.shape_cast %select_n3A_749 : vector<16xi32> to vector<16x1xi32>
    %gather3A_751 = vector.shape_cast %broadcast_in_dim3A_750 : vector<16x1xi32> to vector<16xi32>
    %gather3A_752 = tpu.dynamic_gather %add3A_739[%gather3A_751] in [0] : vector<16xf32>, vector<16xi32> -> vector<16xf32>
    %add3A_753 = arith.addf %add3A_739, %gather3A_752 : vector<16xf32>
    %xor3A_754 = arith.constant 2 : i32
    %xor3A_755 = vector.broadcast %xor3A_754 : i32 to vector<16xi32>
    %xor3A_756 = arith.xori %iota3A, %xor3A_755 : vector<16xi32>
    %lt3A_757 = arith.constant 0 : i32
    %lt3A_758 = vector.broadcast %lt3A_757 : i32 to vector<16xi32>
    %lt3A_759 = arith.cmpi slt, %xor3A_756, %lt3A_758 : vector<16xi32>
    %add3A_760 = arith.constant 16 : i32
    %add3A_761 = vector.broadcast %add3A_760 : i32 to vector<16xi32>
    %add3A_762 = arith.addi %xor3A_756, %add3A_761 : vector<16xi32>
    %select_n3A_763 = arith.select %lt3A_759, %add3A_762, %xor3A_756 : vector<16xi1>, vector<16xi32>
    %broadcast_in_dim3A_764 = vector.shape_cast %select_n3A_763 : vector<16xi32> to vector<16x1xi32>
    %gather3A_765 = vector.shape_cast %broadcast_in_dim3A_764 : vector<16x1xi32> to vector<16xi32>
    %gather3A_766 = tpu.dynamic_gather %add3A_753[%gather3A_765] in [0] : vector<16xf32>, vector<16xi32> -> vector<16xf32>
    %add3A_767 = arith.addf %add3A_753, %gather3A_766 : vector<16xf32>
    %xor3A_768 = arith.constant 1 : i32
    %xor3A_769 = vector.broadcast %xor3A_768 : i32 to vector<16xi32>
    %xor3A_770 = arith.xori %iota3A, %xor3A_769 : vector<16xi32>
    %lt3A_771 = arith.constant 0 : i32
    %lt3A_772 = vector.broadcast %lt3A_771 : i32 to vector<16xi32>
    %lt3A_773 = arith.cmpi slt, %xor3A_770, %lt3A_772 : vector<16xi32>
    %add3A_774 = arith.constant 16 : i32
    %add3A_775 = vector.broadcast %add3A_774 : i32 to vector<16xi32>
    %add3A_776 = arith.addi %xor3A_770, %add3A_775 : vector<16xi32>
    %select_n3A_777 = arith.select %lt3A_773, %add3A_776, %xor3A_770 : vector<16xi1>, vector<16xi32>
    %broadcast_in_dim3A_778 = vector.shape_cast %select_n3A_777 : vector<16xi32> to vector<16x1xi32>
    %gather3A_779 = vector.shape_cast %broadcast_in_dim3A_778 : vector<16x1xi32> to vector<16xi32>
    %gather3A_780 = tpu.dynamic_gather %add3A_767[%gather3A_779] in [0] : vector<16xf32>, vector<16xi32> -> vector<16xf32>
    %add3A_781 = arith.addf %add3A_767, %gather3A_780 : vector<16xf32>
    %eq3A_782 = arith.constant 4 : i32
    %eq3A_783 = vector.broadcast %eq3A_782 : i32 to vector<16xi32>
    %eq3A_784 = arith.cmpi eq, %iota3A, %eq3A_783 : vector<16xi32>
    %select_n3A_785 = arith.select %eq3A_784, %add3A_781, %select_n3A_725 : vector<16xi1>, vector<16xf32>
    %xor3A_786 = arith.constant 8 : i32
    %xor3A_787 = vector.broadcast %xor3A_786 : i32 to vector<16xi32>
    %xor3A_788 = arith.xori %iota3A, %xor3A_787 : vector<16xi32>
    %lt3A_789 = arith.constant 0 : i32
    %lt3A_790 = vector.broadcast %lt3A_789 : i32 to vector<16xi32>
    %lt3A_791 = arith.cmpi slt, %xor3A_788, %lt3A_790 : vector<16xi32>
    %add3A_792 = arith.constant 16 : i32
    %add3A_793 = vector.broadcast %add3A_792 : i32 to vector<16xi32>
    %add3A_794 = arith.addi %xor3A_788, %add3A_793 : vector<16xi32>
    %select_n3A_795 = arith.select %lt3A_791, %add3A_794, %xor3A_788 : vector<16xi1>, vector<16xi32>
    %broadcast_in_dim3A_796 = vector.shape_cast %select_n3A_795 : vector<16xi32> to vector<16x1xi32>
    %gather3A_797 = vector.shape_cast %broadcast_in_dim3A_796 : vector<16x1xi32> to vector<16xi32>
    %gather3A_798 = tpu.dynamic_gather %parallel_loop3A_490#5[%gather3A_797] in [0] : vector<16xf32>, vector<16xi32> -> vector<16xf32>
    %add3A_799 = arith.addf %parallel_loop3A_490#5, %gather3A_798 : vector<16xf32>
    %xor3A_800 = arith.constant 4 : i32
    %xor3A_801 = vector.broadcast %xor3A_800 : i32 to vector<16xi32>
    %xor3A_802 = arith.xori %iota3A, %xor3A_801 : vector<16xi32>
    %lt3A_803 = arith.constant 0 : i32
    %lt3A_804 = vector.broadcast %lt3A_803 : i32 to vector<16xi32>
    %lt3A_805 = arith.cmpi slt, %xor3A_802, %lt3A_804 : vector<16xi32>
    %add3A_806 = arith.constant 16 : i32
    %add3A_807 = vector.broadcast %add3A_806 : i32 to vector<16xi32>
    %add3A_808 = arith.addi %xor3A_802, %add3A_807 : vector<16xi32>
    %select_n3A_809 = arith.select %lt3A_805, %add3A_808, %xor3A_802 : vector<16xi1>, vector<16xi32>
    %broadcast_in_dim3A_810 = vector.shape_cast %select_n3A_809 : vector<16xi32> to vector<16x1xi32>
    %gather3A_811 = vector.shape_cast %broadcast_in_dim3A_810 : vector<16x1xi32> to vector<16xi32>
    %gather3A_812 = tpu.dynamic_gather %add3A_799[%gather3A_811] in [0] : vector<16xf32>, vector<16xi32> -> vector<16xf32>
    %add3A_813 = arith.addf %add3A_799, %gather3A_812 : vector<16xf32>
    %xor3A_814 = arith.constant 2 : i32
    %xor3A_815 = vector.broadcast %xor3A_814 : i32 to vector<16xi32>
    %xor3A_816 = arith.xori %iota3A, %xor3A_815 : vector<16xi32>
    %lt3A_817 = arith.constant 0 : i32
    %lt3A_818 = vector.broadcast %lt3A_817 : i32 to vector<16xi32>
    %lt3A_819 = arith.cmpi slt, %xor3A_816, %lt3A_818 : vector<16xi32>
    %add3A_820 = arith.constant 16 : i32
    %add3A_821 = vector.broadcast %add3A_820 : i32 to vector<16xi32>
    %add3A_822 = arith.addi %xor3A_816, %add3A_821 : vector<16xi32>
    %select_n3A_823 = arith.select %lt3A_819, %add3A_822, %xor3A_816 : vector<16xi1>, vector<16xi32>
    %broadcast_in_dim3A_824 = vector.shape_cast %select_n3A_823 : vector<16xi32> to vector<16x1xi32>
    %gather3A_825 = vector.shape_cast %broadcast_in_dim3A_824 : vector<16x1xi32> to vector<16xi32>
    %gather3A_826 = tpu.dynamic_gather %add3A_813[%gather3A_825] in [0] : vector<16xf32>, vector<16xi32> -> vector<16xf32>
    %add3A_827 = arith.addf %add3A_813, %gather3A_826 : vector<16xf32>
    %xor3A_828 = arith.constant 1 : i32
    %xor3A_829 = vector.broadcast %xor3A_828 : i32 to vector<16xi32>
    %xor3A_830 = arith.xori %iota3A, %xor3A_829 : vector<16xi32>
    %lt3A_831 = arith.constant 0 : i32
    %lt3A_832 = vector.broadcast %lt3A_831 : i32 to vector<16xi32>
    %lt3A_833 = arith.cmpi slt, %xor3A_830, %lt3A_832 : vector<16xi32>
    %add3A_834 = arith.constant 16 : i32
    %add3A_835 = vector.broadcast %add3A_834 : i32 to vector<16xi32>
    %add3A_836 = arith.addi %xor3A_830, %add3A_835 : vector<16xi32>
    %select_n3A_837 = arith.select %lt3A_833, %add3A_836, %xor3A_830 : vector<16xi1>, vector<16xi32>
    %broadcast_in_dim3A_838 = vector.shape_cast %select_n3A_837 : vector<16xi32> to vector<16x1xi32>
    %gather3A_839 = vector.shape_cast %broadcast_in_dim3A_838 : vector<16x1xi32> to vector<16xi32>
    %gather3A_840 = tpu.dynamic_gather %add3A_827[%gather3A_839] in [0] : vector<16xf32>, vector<16xi32> -> vector<16xf32>
    %add3A_841 = arith.addf %add3A_827, %gather3A_840 : vector<16xf32>
    %eq3A_842 = arith.constant 5 : i32
    %eq3A_843 = vector.broadcast %eq3A_842 : i32 to vector<16xi32>
    %eq3A_844 = arith.cmpi eq, %iota3A, %eq3A_843 : vector<16xi32>
    %select_n3A_845 = arith.select %eq3A_844, %add3A_841, %select_n3A_785 : vector<16xi1>, vector<16xf32>
    %xor3A_846 = arith.constant 8 : i32
    %xor3A_847 = vector.broadcast %xor3A_846 : i32 to vector<16xi32>
    %xor3A_848 = arith.xori %iota3A, %xor3A_847 : vector<16xi32>
    %lt3A_849 = arith.constant 0 : i32
    %lt3A_850 = vector.broadcast %lt3A_849 : i32 to vector<16xi32>
    %lt3A_851 = arith.cmpi slt, %xor3A_848, %lt3A_850 : vector<16xi32>
    %add3A_852 = arith.constant 16 : i32
    %add3A_853 = vector.broadcast %add3A_852 : i32 to vector<16xi32>
    %add3A_854 = arith.addi %xor3A_848, %add3A_853 : vector<16xi32>
    %select_n3A_855 = arith.select %lt3A_851, %add3A_854, %xor3A_848 : vector<16xi1>, vector<16xi32>
    %broadcast_in_dim3A_856 = vector.shape_cast %select_n3A_855 : vector<16xi32> to vector<16x1xi32>
    %gather3A_857 = vector.shape_cast %broadcast_in_dim3A_856 : vector<16x1xi32> to vector<16xi32>
    %gather3A_858 = tpu.dynamic_gather %parallel_loop3A_490#6[%gather3A_857] in [0] : vector<16xf32>, vector<16xi32> -> vector<16xf32>
    %add3A_859 = arith.addf %parallel_loop3A_490#6, %gather3A_858 : vector<16xf32>
    %xor3A_860 = arith.constant 4 : i32
    %xor3A_861 = vector.broadcast %xor3A_860 : i32 to vector<16xi32>
    %xor3A_862 = arith.xori %iota3A, %xor3A_861 : vector<16xi32>
    %lt3A_863 = arith.constant 0 : i32
    %lt3A_864 = vector.broadcast %lt3A_863 : i32 to vector<16xi32>
    %lt3A_865 = arith.cmpi slt, %xor3A_862, %lt3A_864 : vector<16xi32>
    %add3A_866 = arith.constant 16 : i32
    %add3A_867 = vector.broadcast %add3A_866 : i32 to vector<16xi32>
    %add3A_868 = arith.addi %xor3A_862, %add3A_867 : vector<16xi32>
    %select_n3A_869 = arith.select %lt3A_865, %add3A_868, %xor3A_862 : vector<16xi1>, vector<16xi32>
    %broadcast_in_dim3A_870 = vector.shape_cast %select_n3A_869 : vector<16xi32> to vector<16x1xi32>
    %gather3A_871 = vector.shape_cast %broadcast_in_dim3A_870 : vector<16x1xi32> to vector<16xi32>
    %gather3A_872 = tpu.dynamic_gather %add3A_859[%gather3A_871] in [0] : vector<16xf32>, vector<16xi32> -> vector<16xf32>
    %add3A_873 = arith.addf %add3A_859, %gather3A_872 : vector<16xf32>
    %xor3A_874 = arith.constant 2 : i32
    %xor3A_875 = vector.broadcast %xor3A_874 : i32 to vector<16xi32>
    %xor3A_876 = arith.xori %iota3A, %xor3A_875 : vector<16xi32>
    %lt3A_877 = arith.constant 0 : i32
    %lt3A_878 = vector.broadcast %lt3A_877 : i32 to vector<16xi32>
    %lt3A_879 = arith.cmpi slt, %xor3A_876, %lt3A_878 : vector<16xi32>
    %add3A_880 = arith.constant 16 : i32
    %add3A_881 = vector.broadcast %add3A_880 : i32 to vector<16xi32>
    %add3A_882 = arith.addi %xor3A_876, %add3A_881 : vector<16xi32>
    %select_n3A_883 = arith.select %lt3A_879, %add3A_882, %xor3A_876 : vector<16xi1>, vector<16xi32>
    %broadcast_in_dim3A_884 = vector.shape_cast %select_n3A_883 : vector<16xi32> to vector<16x1xi32>
    %gather3A_885 = vector.shape_cast %broadcast_in_dim3A_884 : vector<16x1xi32> to vector<16xi32>
    %gather3A_886 = tpu.dynamic_gather %add3A_873[%gather3A_885] in [0] : vector<16xf32>, vector<16xi32> -> vector<16xf32>
    %add3A_887 = arith.addf %add3A_873, %gather3A_886 : vector<16xf32>
    %xor3A_888 = arith.constant 1 : i32
    %xor3A_889 = vector.broadcast %xor3A_888 : i32 to vector<16xi32>
    %xor3A_890 = arith.xori %iota3A, %xor3A_889 : vector<16xi32>
    %lt3A_891 = arith.constant 0 : i32
    %lt3A_892 = vector.broadcast %lt3A_891 : i32 to vector<16xi32>
    %lt3A_893 = arith.cmpi slt, %xor3A_890, %lt3A_892 : vector<16xi32>
    %add3A_894 = arith.constant 16 : i32
    %add3A_895 = vector.broadcast %add3A_894 : i32 to vector<16xi32>
    %add3A_896 = arith.addi %xor3A_890, %add3A_895 : vector<16xi32>
    %select_n3A_897 = arith.select %lt3A_893, %add3A_896, %xor3A_890 : vector<16xi1>, vector<16xi32>
    %broadcast_in_dim3A_898 = vector.shape_cast %select_n3A_897 : vector<16xi32> to vector<16x1xi32>
    %gather3A_899 = vector.shape_cast %broadcast_in_dim3A_898 : vector<16x1xi32> to vector<16xi32>
    %gather3A_900 = tpu.dynamic_gather %add3A_887[%gather3A_899] in [0] : vector<16xf32>, vector<16xi32> -> vector<16xf32>
    %add3A_901 = arith.addf %add3A_887, %gather3A_900 : vector<16xf32>
    %eq3A_902 = arith.constant 6 : i32
    %eq3A_903 = vector.broadcast %eq3A_902 : i32 to vector<16xi32>
    %eq3A_904 = arith.cmpi eq, %iota3A, %eq3A_903 : vector<16xi32>
    %select_n3A_905 = arith.select %eq3A_904, %add3A_901, %select_n3A_845 : vector<16xi1>, vector<16xf32>
    %xor3A_906 = arith.constant 8 : i32
    %xor3A_907 = vector.broadcast %xor3A_906 : i32 to vector<16xi32>
    %xor3A_908 = arith.xori %iota3A, %xor3A_907 : vector<16xi32>
    %lt3A_909 = arith.constant 0 : i32
    %lt3A_910 = vector.broadcast %lt3A_909 : i32 to vector<16xi32>
    %lt3A_911 = arith.cmpi slt, %xor3A_908, %lt3A_910 : vector<16xi32>
    %add3A_912 = arith.constant 16 : i32
    %add3A_913 = vector.broadcast %add3A_912 : i32 to vector<16xi32>
    %add3A_914 = arith.addi %xor3A_908, %add3A_913 : vector<16xi32>
    %select_n3A_915 = arith.select %lt3A_911, %add3A_914, %xor3A_908 : vector<16xi1>, vector<16xi32>
    %broadcast_in_dim3A_916 = vector.shape_cast %select_n3A_915 : vector<16xi32> to vector<16x1xi32>
    %gather3A_917 = vector.shape_cast %broadcast_in_dim3A_916 : vector<16x1xi32> to vector<16xi32>
    %gather3A_918 = tpu.dynamic_gather %parallel_loop3A_490#7[%gather3A_917] in [0] : vector<16xf32>, vector<16xi32> -> vector<16xf32>
    %add3A_919 = arith.addf %parallel_loop3A_490#7, %gather3A_918 : vector<16xf32>
    %xor3A_920 = arith.constant 4 : i32
    %xor3A_921 = vector.broadcast %xor3A_920 : i32 to vector<16xi32>
    %xor3A_922 = arith.xori %iota3A, %xor3A_921 : vector<16xi32>
    %lt3A_923 = arith.constant 0 : i32
    %lt3A_924 = vector.broadcast %lt3A_923 : i32 to vector<16xi32>
    %lt3A_925 = arith.cmpi slt, %xor3A_922, %lt3A_924 : vector<16xi32>
    %add3A_926 = arith.constant 16 : i32
    %add3A_927 = vector.broadcast %add3A_926 : i32 to vector<16xi32>
    %add3A_928 = arith.addi %xor3A_922, %add3A_927 : vector<16xi32>
    %select_n3A_929 = arith.select %lt3A_925, %add3A_928, %xor3A_922 : vector<16xi1>, vector<16xi32>
    %broadcast_in_dim3A_930 = vector.shape_cast %select_n3A_929 : vector<16xi32> to vector<16x1xi32>
    %gather3A_931 = vector.shape_cast %broadcast_in_dim3A_930 : vector<16x1xi32> to vector<16xi32>
    %gather3A_932 = tpu.dynamic_gather %add3A_919[%gather3A_931] in [0] : vector<16xf32>, vector<16xi32> -> vector<16xf32>
    %add3A_933 = arith.addf %add3A_919, %gather3A_932 : vector<16xf32>
    %xor3A_934 = arith.constant 2 : i32
    %xor3A_935 = vector.broadcast %xor3A_934 : i32 to vector<16xi32>
    %xor3A_936 = arith.xori %iota3A, %xor3A_935 : vector<16xi32>
    %lt3A_937 = arith.constant 0 : i32
    %lt3A_938 = vector.broadcast %lt3A_937 : i32 to vector<16xi32>
    %lt3A_939 = arith.cmpi slt, %xor3A_936, %lt3A_938 : vector<16xi32>
    %add3A_940 = arith.constant 16 : i32
    %add3A_941 = vector.broadcast %add3A_940 : i32 to vector<16xi32>
    %add3A_942 = arith.addi %xor3A_936, %add3A_941 : vector<16xi32>
    %select_n3A_943 = arith.select %lt3A_939, %add3A_942, %xor3A_936 : vector<16xi1>, vector<16xi32>
    %broadcast_in_dim3A_944 = vector.shape_cast %select_n3A_943 : vector<16xi32> to vector<16x1xi32>
    %gather3A_945 = vector.shape_cast %broadcast_in_dim3A_944 : vector<16x1xi32> to vector<16xi32>
    %gather3A_946 = tpu.dynamic_gather %add3A_933[%gather3A_945] in [0] : vector<16xf32>, vector<16xi32> -> vector<16xf32>
    %add3A_947 = arith.addf %add3A_933, %gather3A_946 : vector<16xf32>
    %xor3A_948 = arith.constant 1 : i32
    %xor3A_949 = vector.broadcast %xor3A_948 : i32 to vector<16xi32>
    %xor3A_950 = arith.xori %iota3A, %xor3A_949 : vector<16xi32>
    %lt3A_951 = arith.constant 0 : i32
    %lt3A_952 = vector.broadcast %lt3A_951 : i32 to vector<16xi32>
    %lt3A_953 = arith.cmpi slt, %xor3A_950, %lt3A_952 : vector<16xi32>
    %add3A_954 = arith.constant 16 : i32
    %add3A_955 = vector.broadcast %add3A_954 : i32 to vector<16xi32>
    %add3A_956 = arith.addi %xor3A_950, %add3A_955 : vector<16xi32>
    %select_n3A_957 = arith.select %lt3A_953, %add3A_956, %xor3A_950 : vector<16xi1>, vector<16xi32>
    %broadcast_in_dim3A_958 = vector.shape_cast %select_n3A_957 : vector<16xi32> to vector<16x1xi32>
    %gather3A_959 = vector.shape_cast %broadcast_in_dim3A_958 : vector<16x1xi32> to vector<16xi32>
    %gather3A_960 = tpu.dynamic_gather %add3A_947[%gather3A_959] in [0] : vector<16xf32>, vector<16xi32> -> vector<16xf32>
    %add3A_961 = arith.addf %add3A_947, %gather3A_960 : vector<16xf32>
    %eq3A_962 = arith.constant 7 : i32
    %eq3A_963 = vector.broadcast %eq3A_962 : i32 to vector<16xi32>
    %eq3A_964 = arith.cmpi eq, %iota3A, %eq3A_963 : vector<16xi32>
    %select_n3A_965 = arith.select %eq3A_964, %add3A_961, %select_n3A_905 : vector<16xi1>, vector<16xf32>
    %parallel_loop3A_966 = arith.constant 0 : i32
    %parallel_loop3A_967 = arith.constant 4096 : i32
    %parallel_loop3A_968 = arith.constant 16 : i32
    %parallel_loop3A_969:8 = scf.for %parallel_loop3A_1485 = %parallel_loop3A_966 to %parallel_loop3A_967 step %parallel_loop3A_968 iter_args(%parallel_loop3A_1486 = %broadcast_in_dim3A_8, %parallel_loop3A_1487 = %broadcast_in_dim3A_8, %parallel_loop3A_1488 = %broadcast_in_dim3A_8, %parallel_loop3A_1489 = %broadcast_in_dim3A_8, %parallel_loop3A_1490 = %broadcast_in_dim3A_8, %parallel_loop3A_1491 = %broadcast_in_dim3A_8, %parallel_loop3A_1492 = %broadcast_in_dim3A_8, %parallel_loop3A_1493 = %broadcast_in_dim3A_8) -> (vector<16xf32>, vector<16xf32>, vector<16xf32>, vector<16xf32>, vector<16xf32>, vector<16xf32>, vector<16xf32>, vector<16xf32>)  : i32 {
      %parallel_loop3A_1494 = arith.index_cast %parallel_loop3A_1485 : i32 to index
      %parallel_loop3A_1495 = tpu.vector_load %arg7[%parallel_loop3A_1494] {strides = array<i32>} : memref<4096xf32, #tpu.memory_space<vmem>>, vector<16xf32>,
      %parallel_loop3A_1496 = vector.shape_cast %parallel_loop3A_1495 : vector<16xf32> to vector<16xf32>
      %parallel_loop3A_1497 = arith.constant 8 : i32
      %parallel_loop3A_1498 = arith.index_cast %parallel_loop3A_1497 : i32 to index
      %parallel_loop3A_1499 = arith.index_cast %parallel_loop3A_1485 : i32 to index
      %parallel_loop3A_1500 = tpu.vector_load %arg6[%parallel_loop3A_1498, %parallel_loop3A_1499] {strides = array<i32>} : memref<16x4096xf32, #tpu.memory_space<vmem>>, vector<1x16xf32>,
      %parallel_loop3A_1501 = vector.shape_cast %parallel_loop3A_1500 : vector<1x16xf32> to vector<16xf32>
      %parallel_loop3A_1502 = arith.mulf %parallel_loop3A_1501, %parallel_loop3A_1496 : vector<16xf32>
      %parallel_loop3A_1503 = arith.addf %parallel_loop3A_1486, %parallel_loop3A_1502 : vector<16xf32>
      %parallel_loop3A_1504 = arith.constant 9 : i32
      %parallel_loop3A_1505 = arith.index_cast %parallel_loop3A_1504 : i32 to index
      %parallel_loop3A_1506 = arith.index_cast %parallel_loop3A_1485 : i32 to index
      %parallel_loop3A_1507 = tpu.vector_load %arg6[%parallel_loop3A_1505, %parallel_loop3A_1506] {strides = array<i32>} : memref<16x4096xf32, #tpu.memory_space<vmem>>, vector<1x16xf32>,
      %parallel_loop3A_1508 = vector.shape_cast %parallel_loop3A_1507 : vector<1x16xf32> to vector<16xf32>
      %parallel_loop3A_1509 = arith.mulf %parallel_loop3A_1508, %parallel_loop3A_1496 : vector<16xf32>
      %parallel_loop3A_1510 = arith.addf %parallel_loop3A_1487, %parallel_loop3A_1509 : vector<16xf32>
      %parallel_loop3A_1511 = arith.constant 10 : i32
      %parallel_loop3A_1512 = arith.index_cast %parallel_loop3A_1511 : i32 to index
      %parallel_loop3A_1513 = arith.index_cast %parallel_loop3A_1485 : i32 to index
      %parallel_loop3A_1514 = tpu.vector_load %arg6[%parallel_loop3A_1512, %parallel_loop3A_1513] {strides = array<i32>} : memref<16x4096xf32, #tpu.memory_space<vmem>>, vector<1x16xf32>,
      %parallel_loop3A_1515 = vector.shape_cast %parallel_loop3A_1514 : vector<1x16xf32> to vector<16xf32>
      %parallel_loop3A_1516 = arith.mulf %parallel_loop3A_1515, %parallel_loop3A_1496 : vector<16xf32>
      %parallel_loop3A_1517 = arith.addf %parallel_loop3A_1488, %parallel_loop3A_1516 : vector<16xf32>
      %parallel_loop3A_1518 = arith.constant 11 : i32
      %parallel_loop3A_1519 = arith.index_cast %parallel_loop3A_1518 : i32 to index
      %parallel_loop3A_1520 = arith.index_cast %parallel_loop3A_1485 : i32 to index
      %parallel_loop3A_1521 = tpu.vector_load %arg6[%parallel_loop3A_1519, %parallel_loop3A_1520] {strides = array<i32>} : memref<16x4096xf32, #tpu.memory_space<vmem>>, vector<1x16xf32>,
      %parallel_loop3A_1522 = vector.shape_cast %parallel_loop3A_1521 : vector<1x16xf32> to vector<16xf32>
      %parallel_loop3A_1523 = arith.mulf %parallel_loop3A_1522, %parallel_loop3A_1496 : vector<16xf32>
      %parallel_loop3A_1524 = arith.addf %parallel_loop3A_1489, %parallel_loop3A_1523 : vector<16xf32>
      %parallel_loop3A_1525 = arith.constant 12 : i32
      %parallel_loop3A_1526 = arith.index_cast %parallel_loop3A_1525 : i32 to index
      %parallel_loop3A_1527 = arith.index_cast %parallel_loop3A_1485 : i32 to index
      %parallel_loop3A_1528 = tpu.vector_load %arg6[%parallel_loop3A_1526, %parallel_loop3A_1527] {strides = array<i32>} : memref<16x4096xf32, #tpu.memory_space<vmem>>, vector<1x16xf32>,
      %parallel_loop3A_1529 = vector.shape_cast %parallel_loop3A_1528 : vector<1x16xf32> to vector<16xf32>
      %parallel_loop3A_1530 = arith.mulf %parallel_loop3A_1529, %parallel_loop3A_1496 : vector<16xf32>
      %parallel_loop3A_1531 = arith.addf %parallel_loop3A_1490, %parallel_loop3A_1530 : vector<16xf32>
      %parallel_loop3A_1532 = arith.constant 13 : i32
      %parallel_loop3A_1533 = arith.index_cast %parallel_loop3A_1532 : i32 to index
      %parallel_loop3A_1534 = arith.index_cast %parallel_loop3A_1485 : i32 to index
      %parallel_loop3A_1535 = tpu.vector_load %arg6[%parallel_loop3A_1533, %parallel_loop3A_1534] {strides = array<i32>} : memref<16x4096xf32, #tpu.memory_space<vmem>>, vector<1x16xf32>,
      %parallel_loop3A_1536 = vector.shape_cast %parallel_loop3A_1535 : vector<1x16xf32> to vector<16xf32>
      %parallel_loop3A_1537 = arith.mulf %parallel_loop3A_1536, %parallel_loop3A_1496 : vector<16xf32>
      %parallel_loop3A_1538 = arith.addf %parallel_loop3A_1491, %parallel_loop3A_1537 : vector<16xf32>
      %parallel_loop3A_1539 = arith.constant 14 : i32
      %parallel_loop3A_1540 = arith.index_cast %parallel_loop3A_1539 : i32 to index
      %parallel_loop3A_1541 = arith.index_cast %parallel_loop3A_1485 : i32 to index
      %parallel_loop3A_1542 = tpu.vector_load %arg6[%parallel_loop3A_1540, %parallel_loop3A_1541] {strides = array<i32>} : memref<16x4096xf32, #tpu.memory_space<vmem>>, vector<1x16xf32>,
      %parallel_loop3A_1543 = vector.shape_cast %parallel_loop3A_1542 : vector<1x16xf32> to vector<16xf32>
      %parallel_loop3A_1544 = arith.mulf %parallel_loop3A_1543, %parallel_loop3A_1496 : vector<16xf32>
      %parallel_loop3A_1545 = arith.addf %parallel_loop3A_1492, %parallel_loop3A_1544 : vector<16xf32>
      %parallel_loop3A_1546 = arith.constant 15 : i32
      %parallel_loop3A_1547 = arith.index_cast %parallel_loop3A_1546 : i32 to index
      %parallel_loop3A_1548 = arith.index_cast %parallel_loop3A_1485 : i32 to index
      %parallel_loop3A_1549 = tpu.vector_load %arg6[%parallel_loop3A_1547, %parallel_loop3A_1548] {strides = array<i32>} : memref<16x4096xf32, #tpu.memory_space<vmem>>, vector<1x16xf32>,
      %parallel_loop3A_1550 = vector.shape_cast %parallel_loop3A_1549 : vector<1x16xf32> to vector<16xf32>
      %parallel_loop3A_1551 = arith.mulf %parallel_loop3A_1550, %parallel_loop3A_1496 : vector<16xf32>
      %parallel_loop3A_1552 = arith.addf %parallel_loop3A_1493, %parallel_loop3A_1551 : vector<16xf32>
      scf.yield %parallel_loop3A_1503, %parallel_loop3A_1510, %parallel_loop3A_1517, %parallel_loop3A_1524, %parallel_loop3A_1531, %parallel_loop3A_1538, %parallel_loop3A_1545, %parallel_loop3A_1552 : vector<16xf32>, vector<16xf32>, vector<16xf32>, vector<16xf32>, vector<16xf32>, vector<16xf32>, vector<16xf32>, vector<16xf32>
    } {sc.loop_unroll_factor = 4 : i64, sc.parallel_access}
    %xor3A_970 = arith.constant 8 : i32
    %xor3A_971 = vector.broadcast %xor3A_970 : i32 to vector<16xi32>
    %xor3A_972 = arith.xori %iota3A, %xor3A_971 : vector<16xi32>
    %lt3A_973 = arith.constant 0 : i32
    %lt3A_974 = vector.broadcast %lt3A_973 : i32 to vector<16xi32>
    %lt3A_975 = arith.cmpi slt, %xor3A_972, %lt3A_974 : vector<16xi32>
    %add3A_976 = arith.constant 16 : i32
    %add3A_977 = vector.broadcast %add3A_976 : i32 to vector<16xi32>
    %add3A_978 = arith.addi %xor3A_972, %add3A_977 : vector<16xi32>
    %select_n3A_979 = arith.select %lt3A_975, %add3A_978, %xor3A_972 : vector<16xi1>, vector<16xi32>
    %broadcast_in_dim3A_980 = vector.shape_cast %select_n3A_979 : vector<16xi32> to vector<16x1xi32>
    %gather3A_981 = vector.shape_cast %broadcast_in_dim3A_980 : vector<16x1xi32> to vector<16xi32>
    %gather3A_982 = tpu.dynamic_gather %parallel_loop3A_969#0[%gather3A_981] in [0] : vector<16xf32>, vector<16xi32> -> vector<16xf32>
    %add3A_983 = arith.addf %parallel_loop3A_969#0, %gather3A_982 : vector<16xf32>
    %xor3A_984 = arith.constant 4 : i32
    %xor3A_985 = vector.broadcast %xor3A_984 : i32 to vector<16xi32>
    %xor3A_986 = arith.xori %iota3A, %xor3A_985 : vector<16xi32>
    %lt3A_987 = arith.constant 0 : i32
    %lt3A_988 = vector.broadcast %lt3A_987 : i32 to vector<16xi32>
    %lt3A_989 = arith.cmpi slt, %xor3A_986, %lt3A_988 : vector<16xi32>
    %add3A_990 = arith.constant 16 : i32
    %add3A_991 = vector.broadcast %add3A_990 : i32 to vector<16xi32>
    %add3A_992 = arith.addi %xor3A_986, %add3A_991 : vector<16xi32>
    %select_n3A_993 = arith.select %lt3A_989, %add3A_992, %xor3A_986 : vector<16xi1>, vector<16xi32>
    %broadcast_in_dim3A_994 = vector.shape_cast %select_n3A_993 : vector<16xi32> to vector<16x1xi32>
    %gather3A_995 = vector.shape_cast %broadcast_in_dim3A_994 : vector<16x1xi32> to vector<16xi32>
    %gather3A_996 = tpu.dynamic_gather %add3A_983[%gather3A_995] in [0] : vector<16xf32>, vector<16xi32> -> vector<16xf32>
    %add3A_997 = arith.addf %add3A_983, %gather3A_996 : vector<16xf32>
    %xor3A_998 = arith.constant 2 : i32
    %xor3A_999 = vector.broadcast %xor3A_998 : i32 to vector<16xi32>
    %xor3A_1000 = arith.xori %iota3A, %xor3A_999 : vector<16xi32>
    %lt3A_1001 = arith.constant 0 : i32
    %lt3A_1002 = vector.broadcast %lt3A_1001 : i32 to vector<16xi32>
    %lt3A_1003 = arith.cmpi slt, %xor3A_1000, %lt3A_1002 : vector<16xi32>
    %add3A_1004 = arith.constant 16 : i32
    %add3A_1005 = vector.broadcast %add3A_1004 : i32 to vector<16xi32>
    %add3A_1006 = arith.addi %xor3A_1000, %add3A_1005 : vector<16xi32>
    %select_n3A_1007 = arith.select %lt3A_1003, %add3A_1006, %xor3A_1000 : vector<16xi1>, vector<16xi32>
    %broadcast_in_dim3A_1008 = vector.shape_cast %select_n3A_1007 : vector<16xi32> to vector<16x1xi32>
    %gather3A_1009 = vector.shape_cast %broadcast_in_dim3A_1008 : vector<16x1xi32> to vector<16xi32>
    %gather3A_1010 = tpu.dynamic_gather %add3A_997[%gather3A_1009] in [0] : vector<16xf32>, vector<16xi32> -> vector<16xf32>
    %add3A_1011 = arith.addf %add3A_997, %gather3A_1010 : vector<16xf32>
    %xor3A_1012 = arith.constant 1 : i32
    %xor3A_1013 = vector.broadcast %xor3A_1012 : i32 to vector<16xi32>
    %xor3A_1014 = arith.xori %iota3A, %xor3A_1013 : vector<16xi32>
    %lt3A_1015 = arith.constant 0 : i32
    %lt3A_1016 = vector.broadcast %lt3A_1015 : i32 to vector<16xi32>
    %lt3A_1017 = arith.cmpi slt, %xor3A_1014, %lt3A_1016 : vector<16xi32>
    %add3A_1018 = arith.constant 16 : i32
    %add3A_1019 = vector.broadcast %add3A_1018 : i32 to vector<16xi32>
    %add3A_1020 = arith.addi %xor3A_1014, %add3A_1019 : vector<16xi32>
    %select_n3A_1021 = arith.select %lt3A_1017, %add3A_1020, %xor3A_1014 : vector<16xi1>, vector<16xi32>
    %broadcast_in_dim3A_1022 = vector.shape_cast %select_n3A_1021 : vector<16xi32> to vector<16x1xi32>
    %gather3A_1023 = vector.shape_cast %broadcast_in_dim3A_1022 : vector<16x1xi32> to vector<16xi32>
    %gather3A_1024 = tpu.dynamic_gather %add3A_1011[%gather3A_1023] in [0] : vector<16xf32>, vector<16xi32> -> vector<16xf32>
    %add3A_1025 = arith.addf %add3A_1011, %gather3A_1024 : vector<16xf32>
    %eq3A_1026 = arith.constant 8 : i32
    %eq3A_1027 = vector.broadcast %eq3A_1026 : i32 to vector<16xi32>
    %eq3A_1028 = arith.cmpi eq, %iota3A, %eq3A_1027 : vector<16xi32>
    %select_n3A_1029 = arith.select %eq3A_1028, %add3A_1025, %select_n3A_965 : vector<16xi1>, vector<16xf32>
    %xor3A_1030 = arith.constant 8 : i32
    %xor3A_1031 = vector.broadcast %xor3A_1030 : i32 to vector<16xi32>
    %xor3A_1032 = arith.xori %iota3A, %xor3A_1031 : vector<16xi32>
    %lt3A_1033 = arith.constant 0 : i32
    %lt3A_1034 = vector.broadcast %lt3A_1033 : i32 to vector<16xi32>
    %lt3A_1035 = arith.cmpi slt, %xor3A_1032, %lt3A_1034 : vector<16xi32>
    %add3A_1036 = arith.constant 16 : i32
    %add3A_1037 = vector.broadcast %add3A_1036 : i32 to vector<16xi32>
    %add3A_1038 = arith.addi %xor3A_1032, %add3A_1037 : vector<16xi32>
    %select_n3A_1039 = arith.select %lt3A_1035, %add3A_1038, %xor3A_1032 : vector<16xi1>, vector<16xi32>
    %broadcast_in_dim3A_1040 = vector.shape_cast %select_n3A_1039 : vector<16xi32> to vector<16x1xi32>
    %gather3A_1041 = vector.shape_cast %broadcast_in_dim3A_1040 : vector<16x1xi32> to vector<16xi32>
    %gather3A_1042 = tpu.dynamic_gather %parallel_loop3A_969#1[%gather3A_1041] in [0] : vector<16xf32>, vector<16xi32> -> vector<16xf32>
    %add3A_1043 = arith.addf %parallel_loop3A_969#1, %gather3A_1042 : vector<16xf32>
    %xor3A_1044 = arith.constant 4 : i32
    %xor3A_1045 = vector.broadcast %xor3A_1044 : i32 to vector<16xi32>
    %xor3A_1046 = arith.xori %iota3A, %xor3A_1045 : vector<16xi32>
    %lt3A_1047 = arith.constant 0 : i32
    %lt3A_1048 = vector.broadcast %lt3A_1047 : i32 to vector<16xi32>
    %lt3A_1049 = arith.cmpi slt, %xor3A_1046, %lt3A_1048 : vector<16xi32>
    %add3A_1050 = arith.constant 16 : i32
    %add3A_1051 = vector.broadcast %add3A_1050 : i32 to vector<16xi32>
    %add3A_1052 = arith.addi %xor3A_1046, %add3A_1051 : vector<16xi32>
    %select_n3A_1053 = arith.select %lt3A_1049, %add3A_1052, %xor3A_1046 : vector<16xi1>, vector<16xi32>
    %broadcast_in_dim3A_1054 = vector.shape_cast %select_n3A_1053 : vector<16xi32> to vector<16x1xi32>
    %gather3A_1055 = vector.shape_cast %broadcast_in_dim3A_1054 : vector<16x1xi32> to vector<16xi32>
    %gather3A_1056 = tpu.dynamic_gather %add3A_1043[%gather3A_1055] in [0] : vector<16xf32>, vector<16xi32> -> vector<16xf32>
    %add3A_1057 = arith.addf %add3A_1043, %gather3A_1056 : vector<16xf32>
    %xor3A_1058 = arith.constant 2 : i32
    %xor3A_1059 = vector.broadcast %xor3A_1058 : i32 to vector<16xi32>
    %xor3A_1060 = arith.xori %iota3A, %xor3A_1059 : vector<16xi32>
    %lt3A_1061 = arith.constant 0 : i32
    %lt3A_1062 = vector.broadcast %lt3A_1061 : i32 to vector<16xi32>
    %lt3A_1063 = arith.cmpi slt, %xor3A_1060, %lt3A_1062 : vector<16xi32>
    %add3A_1064 = arith.constant 16 : i32
    %add3A_1065 = vector.broadcast %add3A_1064 : i32 to vector<16xi32>
    %add3A_1066 = arith.addi %xor3A_1060, %add3A_1065 : vector<16xi32>
    %select_n3A_1067 = arith.select %lt3A_1063, %add3A_1066, %xor3A_1060 : vector<16xi1>, vector<16xi32>
    %broadcast_in_dim3A_1068 = vector.shape_cast %select_n3A_1067 : vector<16xi32> to vector<16x1xi32>
    %gather3A_1069 = vector.shape_cast %broadcast_in_dim3A_1068 : vector<16x1xi32> to vector<16xi32>
    %gather3A_1070 = tpu.dynamic_gather %add3A_1057[%gather3A_1069] in [0] : vector<16xf32>, vector<16xi32> -> vector<16xf32>
    %add3A_1071 = arith.addf %add3A_1057, %gather3A_1070 : vector<16xf32>
    %xor3A_1072 = arith.constant 1 : i32
    %xor3A_1073 = vector.broadcast %xor3A_1072 : i32 to vector<16xi32>
    %xor3A_1074 = arith.xori %iota3A, %xor3A_1073 : vector<16xi32>
    %lt3A_1075 = arith.constant 0 : i32
    %lt3A_1076 = vector.broadcast %lt3A_1075 : i32 to vector<16xi32>
    %lt3A_1077 = arith.cmpi slt, %xor3A_1074, %lt3A_1076 : vector<16xi32>
    %add3A_1078 = arith.constant 16 : i32
    %add3A_1079 = vector.broadcast %add3A_1078 : i32 to vector<16xi32>
    %add3A_1080 = arith.addi %xor3A_1074, %add3A_1079 : vector<16xi32>
    %select_n3A_1081 = arith.select %lt3A_1077, %add3A_1080, %xor3A_1074 : vector<16xi1>, vector<16xi32>
    %broadcast_in_dim3A_1082 = vector.shape_cast %select_n3A_1081 : vector<16xi32> to vector<16x1xi32>
    %gather3A_1083 = vector.shape_cast %broadcast_in_dim3A_1082 : vector<16x1xi32> to vector<16xi32>
    %gather3A_1084 = tpu.dynamic_gather %add3A_1071[%gather3A_1083] in [0] : vector<16xf32>, vector<16xi32> -> vector<16xf32>
    %add3A_1085 = arith.addf %add3A_1071, %gather3A_1084 : vector<16xf32>
    %eq3A_1086 = arith.constant 9 : i32
    %eq3A_1087 = vector.broadcast %eq3A_1086 : i32 to vector<16xi32>
    %eq3A_1088 = arith.cmpi eq, %iota3A, %eq3A_1087 : vector<16xi32>
    %select_n3A_1089 = arith.select %eq3A_1088, %add3A_1085, %select_n3A_1029 : vector<16xi1>, vector<16xf32>
    %xor3A_1090 = arith.constant 8 : i32
    %xor3A_1091 = vector.broadcast %xor3A_1090 : i32 to vector<16xi32>
    %xor3A_1092 = arith.xori %iota3A, %xor3A_1091 : vector<16xi32>
    %lt3A_1093 = arith.constant 0 : i32
    %lt3A_1094 = vector.broadcast %lt3A_1093 : i32 to vector<16xi32>
    %lt3A_1095 = arith.cmpi slt, %xor3A_1092, %lt3A_1094 : vector<16xi32>
    %add3A_1096 = arith.constant 16 : i32
    %add3A_1097 = vector.broadcast %add3A_1096 : i32 to vector<16xi32>
    %add3A_1098 = arith.addi %xor3A_1092, %add3A_1097 : vector<16xi32>
    %select_n3A_1099 = arith.select %lt3A_1095, %add3A_1098, %xor3A_1092 : vector<16xi1>, vector<16xi32>
    %broadcast_in_dim3A_1100 = vector.shape_cast %select_n3A_1099 : vector<16xi32> to vector<16x1xi32>
    %gather3A_1101 = vector.shape_cast %broadcast_in_dim3A_1100 : vector<16x1xi32> to vector<16xi32>
    %gather3A_1102 = tpu.dynamic_gather %parallel_loop3A_969#2[%gather3A_1101] in [0] : vector<16xf32>, vector<16xi32> -> vector<16xf32>
    %add3A_1103 = arith.addf %parallel_loop3A_969#2, %gather3A_1102 : vector<16xf32>
    %xor3A_1104 = arith.constant 4 : i32
    %xor3A_1105 = vector.broadcast %xor3A_1104 : i32 to vector<16xi32>
    %xor3A_1106 = arith.xori %iota3A, %xor3A_1105 : vector<16xi32>
    %lt3A_1107 = arith.constant 0 : i32
    %lt3A_1108 = vector.broadcast %lt3A_1107 : i32 to vector<16xi32>
    %lt3A_1109 = arith.cmpi slt, %xor3A_1106, %lt3A_1108 : vector<16xi32>
    %add3A_1110 = arith.constant 16 : i32
    %add3A_1111 = vector.broadcast %add3A_1110 : i32 to vector<16xi32>
    %add3A_1112 = arith.addi %xor3A_1106, %add3A_1111 : vector<16xi32>
    %select_n3A_1113 = arith.select %lt3A_1109, %add3A_1112, %xor3A_1106 : vector<16xi1>, vector<16xi32>
    %broadcast_in_dim3A_1114 = vector.shape_cast %select_n3A_1113 : vector<16xi32> to vector<16x1xi32>
    %gather3A_1115 = vector.shape_cast %broadcast_in_dim3A_1114 : vector<16x1xi32> to vector<16xi32>
    %gather3A_1116 = tpu.dynamic_gather %add3A_1103[%gather3A_1115] in [0] : vector<16xf32>, vector<16xi32> -> vector<16xf32>
    %add3A_1117 = arith.addf %add3A_1103, %gather3A_1116 : vector<16xf32>
    %xor3A_1118 = arith.constant 2 : i32
    %xor3A_1119 = vector.broadcast %xor3A_1118 : i32 to vector<16xi32>
    %xor3A_1120 = arith.xori %iota3A, %xor3A_1119 : vector<16xi32>
    %lt3A_1121 = arith.constant 0 : i32
    %lt3A_1122 = vector.broadcast %lt3A_1121 : i32 to vector<16xi32>
    %lt3A_1123 = arith.cmpi slt, %xor3A_1120, %lt3A_1122 : vector<16xi32>
    %add3A_1124 = arith.constant 16 : i32
    %add3A_1125 = vector.broadcast %add3A_1124 : i32 to vector<16xi32>
    %add3A_1126 = arith.addi %xor3A_1120, %add3A_1125 : vector<16xi32>
    %select_n3A_1127 = arith.select %lt3A_1123, %add3A_1126, %xor3A_1120 : vector<16xi1>, vector<16xi32>
    %broadcast_in_dim3A_1128 = vector.shape_cast %select_n3A_1127 : vector<16xi32> to vector<16x1xi32>
    %gather3A_1129 = vector.shape_cast %broadcast_in_dim3A_1128 : vector<16x1xi32> to vector<16xi32>
    %gather3A_1130 = tpu.dynamic_gather %add3A_1117[%gather3A_1129] in [0] : vector<16xf32>, vector<16xi32> -> vector<16xf32>
    %add3A_1131 = arith.addf %add3A_1117, %gather3A_1130 : vector<16xf32>
    %xor3A_1132 = arith.constant 1 : i32
    %xor3A_1133 = vector.broadcast %xor3A_1132 : i32 to vector<16xi32>
    %xor3A_1134 = arith.xori %iota3A, %xor3A_1133 : vector<16xi32>
    %lt3A_1135 = arith.constant 0 : i32
    %lt3A_1136 = vector.broadcast %lt3A_1135 : i32 to vector<16xi32>
    %lt3A_1137 = arith.cmpi slt, %xor3A_1134, %lt3A_1136 : vector<16xi32>
    %add3A_1138 = arith.constant 16 : i32
    %add3A_1139 = vector.broadcast %add3A_1138 : i32 to vector<16xi32>
    %add3A_1140 = arith.addi %xor3A_1134, %add3A_1139 : vector<16xi32>
    %select_n3A_1141 = arith.select %lt3A_1137, %add3A_1140, %xor3A_1134 : vector<16xi1>, vector<16xi32>
    %broadcast_in_dim3A_1142 = vector.shape_cast %select_n3A_1141 : vector<16xi32> to vector<16x1xi32>
    %gather3A_1143 = vector.shape_cast %broadcast_in_dim3A_1142 : vector<16x1xi32> to vector<16xi32>
    %gather3A_1144 = tpu.dynamic_gather %add3A_1131[%gather3A_1143] in [0] : vector<16xf32>, vector<16xi32> -> vector<16xf32>
    %add3A_1145 = arith.addf %add3A_1131, %gather3A_1144 : vector<16xf32>
    %eq3A_1146 = arith.constant 10 : i32
    %eq3A_1147 = vector.broadcast %eq3A_1146 : i32 to vector<16xi32>
    %eq3A_1148 = arith.cmpi eq, %iota3A, %eq3A_1147 : vector<16xi32>
    %select_n3A_1149 = arith.select %eq3A_1148, %add3A_1145, %select_n3A_1089 : vector<16xi1>, vector<16xf32>
    %xor3A_1150 = arith.constant 8 : i32
    %xor3A_1151 = vector.broadcast %xor3A_1150 : i32 to vector<16xi32>
    %xor3A_1152 = arith.xori %iota3A, %xor3A_1151 : vector<16xi32>
    %lt3A_1153 = arith.constant 0 : i32
    %lt3A_1154 = vector.broadcast %lt3A_1153 : i32 to vector<16xi32>
    %lt3A_1155 = arith.cmpi slt, %xor3A_1152, %lt3A_1154 : vector<16xi32>
    %add3A_1156 = arith.constant 16 : i32
    %add3A_1157 = vector.broadcast %add3A_1156 : i32 to vector<16xi32>
    %add3A_1158 = arith.addi %xor3A_1152, %add3A_1157 : vector<16xi32>
    %select_n3A_1159 = arith.select %lt3A_1155, %add3A_1158, %xor3A_1152 : vector<16xi1>, vector<16xi32>
    %broadcast_in_dim3A_1160 = vector.shape_cast %select_n3A_1159 : vector<16xi32> to vector<16x1xi32>
    %gather3A_1161 = vector.shape_cast %broadcast_in_dim3A_1160 : vector<16x1xi32> to vector<16xi32>
    %gather3A_1162 = tpu.dynamic_gather %parallel_loop3A_969#3[%gather3A_1161] in [0] : vector<16xf32>, vector<16xi32> -> vector<16xf32>
    %add3A_1163 = arith.addf %parallel_loop3A_969#3, %gather3A_1162 : vector<16xf32>
    %xor3A_1164 = arith.constant 4 : i32
    %xor3A_1165 = vector.broadcast %xor3A_1164 : i32 to vector<16xi32>
    %xor3A_1166 = arith.xori %iota3A, %xor3A_1165 : vector<16xi32>
    %lt3A_1167 = arith.constant 0 : i32
    %lt3A_1168 = vector.broadcast %lt3A_1167 : i32 to vector<16xi32>
    %lt3A_1169 = arith.cmpi slt, %xor3A_1166, %lt3A_1168 : vector<16xi32>
    %add3A_1170 = arith.constant 16 : i32
    %add3A_1171 = vector.broadcast %add3A_1170 : i32 to vector<16xi32>
    %add3A_1172 = arith.addi %xor3A_1166, %add3A_1171 : vector<16xi32>
    %select_n3A_1173 = arith.select %lt3A_1169, %add3A_1172, %xor3A_1166 : vector<16xi1>, vector<16xi32>
    %broadcast_in_dim3A_1174 = vector.shape_cast %select_n3A_1173 : vector<16xi32> to vector<16x1xi32>
    %gather3A_1175 = vector.shape_cast %broadcast_in_dim3A_1174 : vector<16x1xi32> to vector<16xi32>
    %gather3A_1176 = tpu.dynamic_gather %add3A_1163[%gather3A_1175] in [0] : vector<16xf32>, vector<16xi32> -> vector<16xf32>
    %add3A_1177 = arith.addf %add3A_1163, %gather3A_1176 : vector<16xf32>
    %xor3A_1178 = arith.constant 2 : i32
    %xor3A_1179 = vector.broadcast %xor3A_1178 : i32 to vector<16xi32>
    %xor3A_1180 = arith.xori %iota3A, %xor3A_1179 : vector<16xi32>
    %lt3A_1181 = arith.constant 0 : i32
    %lt3A_1182 = vector.broadcast %lt3A_1181 : i32 to vector<16xi32>
    %lt3A_1183 = arith.cmpi slt, %xor3A_1180, %lt3A_1182 : vector<16xi32>
    %add3A_1184 = arith.constant 16 : i32
    %add3A_1185 = vector.broadcast %add3A_1184 : i32 to vector<16xi32>
    %add3A_1186 = arith.addi %xor3A_1180, %add3A_1185 : vector<16xi32>
    %select_n3A_1187 = arith.select %lt3A_1183, %add3A_1186, %xor3A_1180 : vector<16xi1>, vector<16xi32>
    %broadcast_in_dim3A_1188 = vector.shape_cast %select_n3A_1187 : vector<16xi32> to vector<16x1xi32>
    %gather3A_1189 = vector.shape_cast %broadcast_in_dim3A_1188 : vector<16x1xi32> to vector<16xi32>
    %gather3A_1190 = tpu.dynamic_gather %add3A_1177[%gather3A_1189] in [0] : vector<16xf32>, vector<16xi32> -> vector<16xf32>
    %add3A_1191 = arith.addf %add3A_1177, %gather3A_1190 : vector<16xf32>
    %xor3A_1192 = arith.constant 1 : i32
    %xor3A_1193 = vector.broadcast %xor3A_1192 : i32 to vector<16xi32>
    %xor3A_1194 = arith.xori %iota3A, %xor3A_1193 : vector<16xi32>
    %lt3A_1195 = arith.constant 0 : i32
    %lt3A_1196 = vector.broadcast %lt3A_1195 : i32 to vector<16xi32>
    %lt3A_1197 = arith.cmpi slt, %xor3A_1194, %lt3A_1196 : vector<16xi32>
    %add3A_1198 = arith.constant 16 : i32
    %add3A_1199 = vector.broadcast %add3A_1198 : i32 to vector<16xi32>
    %add3A_1200 = arith.addi %xor3A_1194, %add3A_1199 : vector<16xi32>
    %select_n3A_1201 = arith.select %lt3A_1197, %add3A_1200, %xor3A_1194 : vector<16xi1>, vector<16xi32>
    %broadcast_in_dim3A_1202 = vector.shape_cast %select_n3A_1201 : vector<16xi32> to vector<16x1xi32>
    %gather3A_1203 = vector.shape_cast %broadcast_in_dim3A_1202 : vector<16x1xi32> to vector<16xi32>
    %gather3A_1204 = tpu.dynamic_gather %add3A_1191[%gather3A_1203] in [0] : vector<16xf32>, vector<16xi32> -> vector<16xf32>
    %add3A_1205 = arith.addf %add3A_1191, %gather3A_1204 : vector<16xf32>
    %eq3A_1206 = arith.constant 11 : i32
    %eq3A_1207 = vector.broadcast %eq3A_1206 : i32 to vector<16xi32>
    %eq3A_1208 = arith.cmpi eq, %iota3A, %eq3A_1207 : vector<16xi32>
    %select_n3A_1209 = arith.select %eq3A_1208, %add3A_1205, %select_n3A_1149 : vector<16xi1>, vector<16xf32>
    %xor3A_1210 = arith.constant 8 : i32
    %xor3A_1211 = vector.broadcast %xor3A_1210 : i32 to vector<16xi32>
    %xor3A_1212 = arith.xori %iota3A, %xor3A_1211 : vector<16xi32>
    %lt3A_1213 = arith.constant 0 : i32
    %lt3A_1214 = vector.broadcast %lt3A_1213 : i32 to vector<16xi32>
    %lt3A_1215 = arith.cmpi slt, %xor3A_1212, %lt3A_1214 : vector<16xi32>
    %add3A_1216 = arith.constant 16 : i32
    %add3A_1217 = vector.broadcast %add3A_1216 : i32 to vector<16xi32>
    %add3A_1218 = arith.addi %xor3A_1212, %add3A_1217 : vector<16xi32>
    %select_n3A_1219 = arith.select %lt3A_1215, %add3A_1218, %xor3A_1212 : vector<16xi1>, vector<16xi32>
    %broadcast_in_dim3A_1220 = vector.shape_cast %select_n3A_1219 : vector<16xi32> to vector<16x1xi32>
    %gather3A_1221 = vector.shape_cast %broadcast_in_dim3A_1220 : vector<16x1xi32> to vector<16xi32>
    %gather3A_1222 = tpu.dynamic_gather %parallel_loop3A_969#4[%gather3A_1221] in [0] : vector<16xf32>, vector<16xi32> -> vector<16xf32>
    %add3A_1223 = arith.addf %parallel_loop3A_969#4, %gather3A_1222 : vector<16xf32>
    %xor3A_1224 = arith.constant 4 : i32
    %xor3A_1225 = vector.broadcast %xor3A_1224 : i32 to vector<16xi32>
    %xor3A_1226 = arith.xori %iota3A, %xor3A_1225 : vector<16xi32>
    %lt3A_1227 = arith.constant 0 : i32
    %lt3A_1228 = vector.broadcast %lt3A_1227 : i32 to vector<16xi32>
    %lt3A_1229 = arith.cmpi slt, %xor3A_1226, %lt3A_1228 : vector<16xi32>
    %add3A_1230 = arith.constant 16 : i32
    %add3A_1231 = vector.broadcast %add3A_1230 : i32 to vector<16xi32>
    %add3A_1232 = arith.addi %xor3A_1226, %add3A_1231 : vector<16xi32>
    %select_n3A_1233 = arith.select %lt3A_1229, %add3A_1232, %xor3A_1226 : vector<16xi1>, vector<16xi32>
    %broadcast_in_dim3A_1234 = vector.shape_cast %select_n3A_1233 : vector<16xi32> to vector<16x1xi32>
    %gather3A_1235 = vector.shape_cast %broadcast_in_dim3A_1234 : vector<16x1xi32> to vector<16xi32>
    %gather3A_1236 = tpu.dynamic_gather %add3A_1223[%gather3A_1235] in [0] : vector<16xf32>, vector<16xi32> -> vector<16xf32>
    %add3A_1237 = arith.addf %add3A_1223, %gather3A_1236 : vector<16xf32>
    %xor3A_1238 = arith.constant 2 : i32
    %xor3A_1239 = vector.broadcast %xor3A_1238 : i32 to vector<16xi32>
    %xor3A_1240 = arith.xori %iota3A, %xor3A_1239 : vector<16xi32>
    %lt3A_1241 = arith.constant 0 : i32
    %lt3A_1242 = vector.broadcast %lt3A_1241 : i32 to vector<16xi32>
    %lt3A_1243 = arith.cmpi slt, %xor3A_1240, %lt3A_1242 : vector<16xi32>
    %add3A_1244 = arith.constant 16 : i32
    %add3A_1245 = vector.broadcast %add3A_1244 : i32 to vector<16xi32>
    %add3A_1246 = arith.addi %xor3A_1240, %add3A_1245 : vector<16xi32>
    %select_n3A_1247 = arith.select %lt3A_1243, %add3A_1246, %xor3A_1240 : vector<16xi1>, vector<16xi32>
    %broadcast_in_dim3A_1248 = vector.shape_cast %select_n3A_1247 : vector<16xi32> to vector<16x1xi32>
    %gather3A_1249 = vector.shape_cast %broadcast_in_dim3A_1248 : vector<16x1xi32> to vector<16xi32>
    %gather3A_1250 = tpu.dynamic_gather %add3A_1237[%gather3A_1249] in [0] : vector<16xf32>, vector<16xi32> -> vector<16xf32>
    %add3A_1251 = arith.addf %add3A_1237, %gather3A_1250 : vector<16xf32>
    %xor3A_1252 = arith.constant 1 : i32
    %xor3A_1253 = vector.broadcast %xor3A_1252 : i32 to vector<16xi32>
    %xor3A_1254 = arith.xori %iota3A, %xor3A_1253 : vector<16xi32>
    %lt3A_1255 = arith.constant 0 : i32
    %lt3A_1256 = vector.broadcast %lt3A_1255 : i32 to vector<16xi32>
    %lt3A_1257 = arith.cmpi slt, %xor3A_1254, %lt3A_1256 : vector<16xi32>
    %add3A_1258 = arith.constant 16 : i32
    %add3A_1259 = vector.broadcast %add3A_1258 : i32 to vector<16xi32>
    %add3A_1260 = arith.addi %xor3A_1254, %add3A_1259 : vector<16xi32>
    %select_n3A_1261 = arith.select %lt3A_1257, %add3A_1260, %xor3A_1254 : vector<16xi1>, vector<16xi32>
    %broadcast_in_dim3A_1262 = vector.shape_cast %select_n3A_1261 : vector<16xi32> to vector<16x1xi32>
    %gather3A_1263 = vector.shape_cast %broadcast_in_dim3A_1262 : vector<16x1xi32> to vector<16xi32>
    %gather3A_1264 = tpu.dynamic_gather %add3A_1251[%gather3A_1263] in [0] : vector<16xf32>, vector<16xi32> -> vector<16xf32>
    %add3A_1265 = arith.addf %add3A_1251, %gather3A_1264 : vector<16xf32>
    %eq3A_1266 = arith.constant 12 : i32
    %eq3A_1267 = vector.broadcast %eq3A_1266 : i32 to vector<16xi32>
    %eq3A_1268 = arith.cmpi eq, %iota3A, %eq3A_1267 : vector<16xi32>
    %select_n3A_1269 = arith.select %eq3A_1268, %add3A_1265, %select_n3A_1209 : vector<16xi1>, vector<16xf32>
    %xor3A_1270 = arith.constant 8 : i32
    %xor3A_1271 = vector.broadcast %xor3A_1270 : i32 to vector<16xi32>
    %xor3A_1272 = arith.xori %iota3A, %xor3A_1271 : vector<16xi32>
    %lt3A_1273 = arith.constant 0 : i32
    %lt3A_1274 = vector.broadcast %lt3A_1273 : i32 to vector<16xi32>
    %lt3A_1275 = arith.cmpi slt, %xor3A_1272, %lt3A_1274 : vector<16xi32>
    %add3A_1276 = arith.constant 16 : i32
    %add3A_1277 = vector.broadcast %add3A_1276 : i32 to vector<16xi32>
    %add3A_1278 = arith.addi %xor3A_1272, %add3A_1277 : vector<16xi32>
    %select_n3A_1279 = arith.select %lt3A_1275, %add3A_1278, %xor3A_1272 : vector<16xi1>, vector<16xi32>
    %broadcast_in_dim3A_1280 = vector.shape_cast %select_n3A_1279 : vector<16xi32> to vector<16x1xi32>
    %gather3A_1281 = vector.shape_cast %broadcast_in_dim3A_1280 : vector<16x1xi32> to vector<16xi32>
    %gather3A_1282 = tpu.dynamic_gather %parallel_loop3A_969#5[%gather3A_1281] in [0] : vector<16xf32>, vector<16xi32> -> vector<16xf32>
    %add3A_1283 = arith.addf %parallel_loop3A_969#5, %gather3A_1282 : vector<16xf32>
    %xor3A_1284 = arith.constant 4 : i32
    %xor3A_1285 = vector.broadcast %xor3A_1284 : i32 to vector<16xi32>
    %xor3A_1286 = arith.xori %iota3A, %xor3A_1285 : vector<16xi32>
    %lt3A_1287 = arith.constant 0 : i32
    %lt3A_1288 = vector.broadcast %lt3A_1287 : i32 to vector<16xi32>
    %lt3A_1289 = arith.cmpi slt, %xor3A_1286, %lt3A_1288 : vector<16xi32>
    %add3A_1290 = arith.constant 16 : i32
    %add3A_1291 = vector.broadcast %add3A_1290 : i32 to vector<16xi32>
    %add3A_1292 = arith.addi %xor3A_1286, %add3A_1291 : vector<16xi32>
    %select_n3A_1293 = arith.select %lt3A_1289, %add3A_1292, %xor3A_1286 : vector<16xi1>, vector<16xi32>
    %broadcast_in_dim3A_1294 = vector.shape_cast %select_n3A_1293 : vector<16xi32> to vector<16x1xi32>
    %gather3A_1295 = vector.shape_cast %broadcast_in_dim3A_1294 : vector<16x1xi32> to vector<16xi32>
    %gather3A_1296 = tpu.dynamic_gather %add3A_1283[%gather3A_1295] in [0] : vector<16xf32>, vector<16xi32> -> vector<16xf32>
    %add3A_1297 = arith.addf %add3A_1283, %gather3A_1296 : vector<16xf32>
    %xor3A_1298 = arith.constant 2 : i32
    %xor3A_1299 = vector.broadcast %xor3A_1298 : i32 to vector<16xi32>
    %xor3A_1300 = arith.xori %iota3A, %xor3A_1299 : vector<16xi32>
    %lt3A_1301 = arith.constant 0 : i32
    %lt3A_1302 = vector.broadcast %lt3A_1301 : i32 to vector<16xi32>
    %lt3A_1303 = arith.cmpi slt, %xor3A_1300, %lt3A_1302 : vector<16xi32>
    %add3A_1304 = arith.constant 16 : i32
    %add3A_1305 = vector.broadcast %add3A_1304 : i32 to vector<16xi32>
    %add3A_1306 = arith.addi %xor3A_1300, %add3A_1305 : vector<16xi32>
    %select_n3A_1307 = arith.select %lt3A_1303, %add3A_1306, %xor3A_1300 : vector<16xi1>, vector<16xi32>
    %broadcast_in_dim3A_1308 = vector.shape_cast %select_n3A_1307 : vector<16xi32> to vector<16x1xi32>
    %gather3A_1309 = vector.shape_cast %broadcast_in_dim3A_1308 : vector<16x1xi32> to vector<16xi32>
    %gather3A_1310 = tpu.dynamic_gather %add3A_1297[%gather3A_1309] in [0] : vector<16xf32>, vector<16xi32> -> vector<16xf32>
    %add3A_1311 = arith.addf %add3A_1297, %gather3A_1310 : vector<16xf32>
    %xor3A_1312 = arith.constant 1 : i32
    %xor3A_1313 = vector.broadcast %xor3A_1312 : i32 to vector<16xi32>
    %xor3A_1314 = arith.xori %iota3A, %xor3A_1313 : vector<16xi32>
    %lt3A_1315 = arith.constant 0 : i32
    %lt3A_1316 = vector.broadcast %lt3A_1315 : i32 to vector<16xi32>
    %lt3A_1317 = arith.cmpi slt, %xor3A_1314, %lt3A_1316 : vector<16xi32>
    %add3A_1318 = arith.constant 16 : i32
    %add3A_1319 = vector.broadcast %add3A_1318 : i32 to vector<16xi32>
    %add3A_1320 = arith.addi %xor3A_1314, %add3A_1319 : vector<16xi32>
    %select_n3A_1321 = arith.select %lt3A_1317, %add3A_1320, %xor3A_1314 : vector<16xi1>, vector<16xi32>
    %broadcast_in_dim3A_1322 = vector.shape_cast %select_n3A_1321 : vector<16xi32> to vector<16x1xi32>
    %gather3A_1323 = vector.shape_cast %broadcast_in_dim3A_1322 : vector<16x1xi32> to vector<16xi32>
    %gather3A_1324 = tpu.dynamic_gather %add3A_1311[%gather3A_1323] in [0] : vector<16xf32>, vector<16xi32> -> vector<16xf32>
    %add3A_1325 = arith.addf %add3A_1311, %gather3A_1324 : vector<16xf32>
    %eq3A_1326 = arith.constant 13 : i32
    %eq3A_1327 = vector.broadcast %eq3A_1326 : i32 to vector<16xi32>
    %eq3A_1328 = arith.cmpi eq, %iota3A, %eq3A_1327 : vector<16xi32>
    %select_n3A_1329 = arith.select %eq3A_1328, %add3A_1325, %select_n3A_1269 : vector<16xi1>, vector<16xf32>
    %xor3A_1330 = arith.constant 8 : i32
    %xor3A_1331 = vector.broadcast %xor3A_1330 : i32 to vector<16xi32>
    %xor3A_1332 = arith.xori %iota3A, %xor3A_1331 : vector<16xi32>
    %lt3A_1333 = arith.constant 0 : i32
    %lt3A_1334 = vector.broadcast %lt3A_1333 : i32 to vector<16xi32>
    %lt3A_1335 = arith.cmpi slt, %xor3A_1332, %lt3A_1334 : vector<16xi32>
    %add3A_1336 = arith.constant 16 : i32
    %add3A_1337 = vector.broadcast %add3A_1336 : i32 to vector<16xi32>
    %add3A_1338 = arith.addi %xor3A_1332, %add3A_1337 : vector<16xi32>
    %select_n3A_1339 = arith.select %lt3A_1335, %add3A_1338, %xor3A_1332 : vector<16xi1>, vector<16xi32>
    %broadcast_in_dim3A_1340 = vector.shape_cast %select_n3A_1339 : vector<16xi32> to vector<16x1xi32>
    %gather3A_1341 = vector.shape_cast %broadcast_in_dim3A_1340 : vector<16x1xi32> to vector<16xi32>
    %gather3A_1342 = tpu.dynamic_gather %parallel_loop3A_969#6[%gather3A_1341] in [0] : vector<16xf32>, vector<16xi32> -> vector<16xf32>
    %add3A_1343 = arith.addf %parallel_loop3A_969#6, %gather3A_1342 : vector<16xf32>
    %xor3A_1344 = arith.constant 4 : i32
    %xor3A_1345 = vector.broadcast %xor3A_1344 : i32 to vector<16xi32>
    %xor3A_1346 = arith.xori %iota3A, %xor3A_1345 : vector<16xi32>
    %lt3A_1347 = arith.constant 0 : i32
    %lt3A_1348 = vector.broadcast %lt3A_1347 : i32 to vector<16xi32>
    %lt3A_1349 = arith.cmpi slt, %xor3A_1346, %lt3A_1348 : vector<16xi32>
    %add3A_1350 = arith.constant 16 : i32
    %add3A_1351 = vector.broadcast %add3A_1350 : i32 to vector<16xi32>
    %add3A_1352 = arith.addi %xor3A_1346, %add3A_1351 : vector<16xi32>
    %select_n3A_1353 = arith.select %lt3A_1349, %add3A_1352, %xor3A_1346 : vector<16xi1>, vector<16xi32>
    %broadcast_in_dim3A_1354 = vector.shape_cast %select_n3A_1353 : vector<16xi32> to vector<16x1xi32>
    %gather3A_1355 = vector.shape_cast %broadcast_in_dim3A_1354 : vector<16x1xi32> to vector<16xi32>
    %gather3A_1356 = tpu.dynamic_gather %add3A_1343[%gather3A_1355] in [0] : vector<16xf32>, vector<16xi32> -> vector<16xf32>
    %add3A_1357 = arith.addf %add3A_1343, %gather3A_1356 : vector<16xf32>
    %xor3A_1358 = arith.constant 2 : i32
    %xor3A_1359 = vector.broadcast %xor3A_1358 : i32 to vector<16xi32>
    %xor3A_1360 = arith.xori %iota3A, %xor3A_1359 : vector<16xi32>
    %lt3A_1361 = arith.constant 0 : i32
    %lt3A_1362 = vector.broadcast %lt3A_1361 : i32 to vector<16xi32>
    %lt3A_1363 = arith.cmpi slt, %xor3A_1360, %lt3A_1362 : vector<16xi32>
    %add3A_1364 = arith.constant 16 : i32
    %add3A_1365 = vector.broadcast %add3A_1364 : i32 to vector<16xi32>
    %add3A_1366 = arith.addi %xor3A_1360, %add3A_1365 : vector<16xi32>
    %select_n3A_1367 = arith.select %lt3A_1363, %add3A_1366, %xor3A_1360 : vector<16xi1>, vector<16xi32>
    %broadcast_in_dim3A_1368 = vector.shape_cast %select_n3A_1367 : vector<16xi32> to vector<16x1xi32>
    %gather3A_1369 = vector.shape_cast %broadcast_in_dim3A_1368 : vector<16x1xi32> to vector<16xi32>
    %gather3A_1370 = tpu.dynamic_gather %add3A_1357[%gather3A_1369] in [0] : vector<16xf32>, vector<16xi32> -> vector<16xf32>
    %add3A_1371 = arith.addf %add3A_1357, %gather3A_1370 : vector<16xf32>
    %xor3A_1372 = arith.constant 1 : i32
    %xor3A_1373 = vector.broadcast %xor3A_1372 : i32 to vector<16xi32>
    %xor3A_1374 = arith.xori %iota3A, %xor3A_1373 : vector<16xi32>
    %lt3A_1375 = arith.constant 0 : i32
    %lt3A_1376 = vector.broadcast %lt3A_1375 : i32 to vector<16xi32>
    %lt3A_1377 = arith.cmpi slt, %xor3A_1374, %lt3A_1376 : vector<16xi32>
    %add3A_1378 = arith.constant 16 : i32
    %add3A_1379 = vector.broadcast %add3A_1378 : i32 to vector<16xi32>
    %add3A_1380 = arith.addi %xor3A_1374, %add3A_1379 : vector<16xi32>
    %select_n3A_1381 = arith.select %lt3A_1377, %add3A_1380, %xor3A_1374 : vector<16xi1>, vector<16xi32>
    %broadcast_in_dim3A_1382 = vector.shape_cast %select_n3A_1381 : vector<16xi32> to vector<16x1xi32>
    %gather3A_1383 = vector.shape_cast %broadcast_in_dim3A_1382 : vector<16x1xi32> to vector<16xi32>
    %gather3A_1384 = tpu.dynamic_gather %add3A_1371[%gather3A_1383] in [0] : vector<16xf32>, vector<16xi32> -> vector<16xf32>
    %add3A_1385 = arith.addf %add3A_1371, %gather3A_1384 : vector<16xf32>
    %eq3A_1386 = arith.constant 14 : i32
    %eq3A_1387 = vector.broadcast %eq3A_1386 : i32 to vector<16xi32>
    %eq3A_1388 = arith.cmpi eq, %iota3A, %eq3A_1387 : vector<16xi32>
    %select_n3A_1389 = arith.select %eq3A_1388, %add3A_1385, %select_n3A_1329 : vector<16xi1>, vector<16xf32>
    %xor3A_1390 = arith.constant 8 : i32
    %xor3A_1391 = vector.broadcast %xor3A_1390 : i32 to vector<16xi32>
    %xor3A_1392 = arith.xori %iota3A, %xor3A_1391 : vector<16xi32>
    %lt3A_1393 = arith.constant 0 : i32
    %lt3A_1394 = vector.broadcast %lt3A_1393 : i32 to vector<16xi32>
    %lt3A_1395 = arith.cmpi slt, %xor3A_1392, %lt3A_1394 : vector<16xi32>
    %add3A_1396 = arith.constant 16 : i32
    %add3A_1397 = vector.broadcast %add3A_1396 : i32 to vector<16xi32>
    %add3A_1398 = arith.addi %xor3A_1392, %add3A_1397 : vector<16xi32>
    %select_n3A_1399 = arith.select %lt3A_1395, %add3A_1398, %xor3A_1392 : vector<16xi1>, vector<16xi32>
    %broadcast_in_dim3A_1400 = vector.shape_cast %select_n3A_1399 : vector<16xi32> to vector<16x1xi32>
    %gather3A_1401 = vector.shape_cast %broadcast_in_dim3A_1400 : vector<16x1xi32> to vector<16xi32>
    %gather3A_1402 = tpu.dynamic_gather %parallel_loop3A_969#7[%gather3A_1401] in [0] : vector<16xf32>, vector<16xi32> -> vector<16xf32>
    %add3A_1403 = arith.addf %parallel_loop3A_969#7, %gather3A_1402 : vector<16xf32>
    %xor3A_1404 = arith.constant 4 : i32
    %xor3A_1405 = vector.broadcast %xor3A_1404 : i32 to vector<16xi32>
    %xor3A_1406 = arith.xori %iota3A, %xor3A_1405 : vector<16xi32>
    %lt3A_1407 = arith.constant 0 : i32
    %lt3A_1408 = vector.broadcast %lt3A_1407 : i32 to vector<16xi32>
    %lt3A_1409 = arith.cmpi slt, %xor3A_1406, %lt3A_1408 : vector<16xi32>
    %add3A_1410 = arith.constant 16 : i32
    %add3A_1411 = vector.broadcast %add3A_1410 : i32 to vector<16xi32>
    %add3A_1412 = arith.addi %xor3A_1406, %add3A_1411 : vector<16xi32>
    %select_n3A_1413 = arith.select %lt3A_1409, %add3A_1412, %xor3A_1406 : vector<16xi1>, vector<16xi32>
    %broadcast_in_dim3A_1414 = vector.shape_cast %select_n3A_1413 : vector<16xi32> to vector<16x1xi32>
    %gather3A_1415 = vector.shape_cast %broadcast_in_dim3A_1414 : vector<16x1xi32> to vector<16xi32>
    %gather3A_1416 = tpu.dynamic_gather %add3A_1403[%gather3A_1415] in [0] : vector<16xf32>, vector<16xi32> -> vector<16xf32>
    %add3A_1417 = arith.addf %add3A_1403, %gather3A_1416 : vector<16xf32>
    %xor3A_1418 = arith.constant 2 : i32
    %xor3A_1419 = vector.broadcast %xor3A_1418 : i32 to vector<16xi32>
    %xor3A_1420 = arith.xori %iota3A, %xor3A_1419 : vector<16xi32>
    %lt3A_1421 = arith.constant 0 : i32
    %lt3A_1422 = vector.broadcast %lt3A_1421 : i32 to vector<16xi32>
    %lt3A_1423 = arith.cmpi slt, %xor3A_1420, %lt3A_1422 : vector<16xi32>
    %add3A_1424 = arith.constant 16 : i32
    %add3A_1425 = vector.broadcast %add3A_1424 : i32 to vector<16xi32>
    %add3A_1426 = arith.addi %xor3A_1420, %add3A_1425 : vector<16xi32>
    %select_n3A_1427 = arith.select %lt3A_1423, %add3A_1426, %xor3A_1420 : vector<16xi1>, vector<16xi32>
    %broadcast_in_dim3A_1428 = vector.shape_cast %select_n3A_1427 : vector<16xi32> to vector<16x1xi32>
    %gather3A_1429 = vector.shape_cast %broadcast_in_dim3A_1428 : vector<16x1xi32> to vector<16xi32>
    %gather3A_1430 = tpu.dynamic_gather %add3A_1417[%gather3A_1429] in [0] : vector<16xf32>, vector<16xi32> -> vector<16xf32>
    %add3A_1431 = arith.addf %add3A_1417, %gather3A_1430 : vector<16xf32>
    %xor3A_1432 = arith.constant 1 : i32
    %xor3A_1433 = vector.broadcast %xor3A_1432 : i32 to vector<16xi32>
    %xor3A_1434 = arith.xori %iota3A, %xor3A_1433 : vector<16xi32>
    %lt3A_1435 = arith.constant 0 : i32
    %lt3A_1436 = vector.broadcast %lt3A_1435 : i32 to vector<16xi32>
    %lt3A_1437 = arith.cmpi slt, %xor3A_1434, %lt3A_1436 : vector<16xi32>
    %add3A_1438 = arith.constant 16 : i32
    %add3A_1439 = vector.broadcast %add3A_1438 : i32 to vector<16xi32>
    %add3A_1440 = arith.addi %xor3A_1434, %add3A_1439 : vector<16xi32>
    %select_n3A_1441 = arith.select %lt3A_1437, %add3A_1440, %xor3A_1434 : vector<16xi1>, vector<16xi32>
    %broadcast_in_dim3A_1442 = vector.shape_cast %select_n3A_1441 : vector<16xi32> to vector<16x1xi32>
    %gather3A_1443 = vector.shape_cast %broadcast_in_dim3A_1442 : vector<16x1xi32> to vector<16xi32>
    %gather3A_1444 = tpu.dynamic_gather %add3A_1431[%gather3A_1443] in [0] : vector<16xf32>, vector<16xi32> -> vector<16xf32>
    %add3A_1445 = arith.addf %add3A_1431, %gather3A_1444 : vector<16xf32>
    %eq3A_1446 = arith.constant 15 : i32
    %eq3A_1447 = vector.broadcast %eq3A_1446 : i32 to vector<16xi32>
    %eq3A_1448 = arith.cmpi eq, %iota3A, %eq3A_1447 : vector<16xi32>
    %select_n3A_1449 = arith.select %eq3A_1448, %add3A_1445, %select_n3A_1389 : vector<16xi1>, vector<16xf32>
    %get3A_1450 = arith.constant 0 : index
    %get3A_1451 = tpu.vector_load %arg8[%get3A_1450] {strides = array<i32>} : memref<1056xf32, #tpu.memory_space<vmem>>, vector<16xf32>,
    %get3A_1452 = vector.shape_cast %get3A_1451 : vector<16xf32> to vector<16xf32>
    %get3A_1453 = arith.constant 16 : index
    %get3A_1454 = tpu.vector_load %arg8[%get3A_1453] {strides = array<i32>} : memref<1056xf32, #tpu.memory_space<vmem>>, vector<16xf32>,
    %get3A_1455 = vector.shape_cast %get3A_1454 : vector<16xf32> to vector<16xf32>
    %sub3A_1456 = arith.subf %get3A_1452, %select_n3A_1449 : vector<16xf32>
    %neg3A = arith.constant 0.000000e+00 : f32
    %neg3A_1457 = vector.broadcast %neg3A : f32 to vector<16xf32>
    %neg3A_1458 = arith.subf %neg3A_1457, %sub3A_1456 : vector<16xf32>
    %max3A_1459 = arith.constant 0.000000e+00 : f32
    %max3A_1460 = vector.broadcast %max3A_1459 : f32 to vector<16xf32>
    %max3A_1461 = arith.maximumf %neg3A_1458, %max3A_1460 : vector<16xf32>
    %mul3A_1462 = arith.mulf %max3A_1461, %get3A_1455 : vector<16xf32>
    %add3A_1463 = arith.addf %sub3A_1456, %mul3A_1462 : vector<16xf32>
    %abs3A_1464 = math.absf %add3A_1463 : vector<16xf32>
    %max3A_1465 = arith.maximumf %max3A_484, %abs3A_1464 : vector<16xf32>
    %swap3A = arith.constant 0 : i32
    %swap3A_1466 = arith.index_cast %swap3A : i32 to index
    %swap3A_1467 = arith.constant 0 : index
    %swap3A_1468 = tpu.vector_load %arg9[%swap3A_1466, %swap3A_1467] {strides = array<i32>} : memref<3x16xf32, #tpu.memory_space<vmem>>, vector<1x16xf32>,
    %swap3A_1469 = vector.shape_cast %swap3A_1468 : vector<1x16xf32> to vector<16xf32>
    %swap3A_1470 = vector.shape_cast %max3A_1465 : vector<16xf32> to vector<1x16xf32>
    tpu.vector_store %arg9[%swap3A_1466, %swap3A_1467], %swap3A_1470 {strides = array<i32>} : memref<3x16xf32, #tpu.memory_space<vmem>>, vector<1x16xf32>,
    %abs3A_1471 = math.absf %select_n3A_1449 : vector<16xf32>
    %swap3A_1472 = arith.constant 1 : i32
    %swap3A_1473 = arith.index_cast %swap3A_1472 : i32 to index
    %swap3A_1474 = arith.constant 0 : index
    %swap3A_1475 = tpu.vector_load %arg9[%swap3A_1473, %swap3A_1474] {strides = array<i32>} : memref<3x16xf32, #tpu.memory_space<vmem>>, vector<1x16xf32>,
    %swap3A_1476 = vector.shape_cast %swap3A_1475 : vector<1x16xf32> to vector<16xf32>
    %swap3A_1477 = vector.shape_cast %abs3A_1471 : vector<16xf32> to vector<1x16xf32>
    tpu.vector_store %arg9[%swap3A_1473, %swap3A_1474], %swap3A_1477 {strides = array<i32>} : memref<3x16xf32, #tpu.memory_space<vmem>>, vector<1x16xf32>,
    %abs3A_1478 = math.absf %get3A_1452 : vector<16xf32>
    %swap3A_1479 = arith.constant 2 : i32
    %swap3A_1480 = arith.index_cast %swap3A_1479 : i32 to index
    %swap3A_1481 = arith.constant 0 : index
    %swap3A_1482 = tpu.vector_load %arg9[%swap3A_1480, %swap3A_1481] {strides = array<i32>} : memref<3x16xf32, #tpu.memory_space<vmem>>, vector<1x16xf32>,
    %swap3A_1483 = vector.shape_cast %swap3A_1482 : vector<1x16xf32> to vector<16xf32>
    %swap3A_1484 = vector.shape_cast %abs3A_1478 : vector<16xf32> to vector<1x16xf32>
    tpu.vector_store %arg9[%swap3A_1480, %swap3A_1481], %swap3A_1484 {strides = array<i32>} : memref<3x16xf32, #tpu.memory_space<vmem>>, vector<1x16xf32>,
    "tpu.region"() ({
      %run_scoped3A = tpu.sem_alloc : memref<!tpu.dma_semaphore, #tpu.memory_space<semaphore_mem>>
      %dma_start3A_1485 = arith.constant 0 : i32
      %dma_start3A_1486 = arith.constant 0 : i32
      %dma_start3A_1487 = tpu.memref_slice %arg5[%add3A, %dma_start3A_1485, %dma_start3A_1486] : memref<16x3x16xf32, #tpu.memory_space<hbm>> -> memref<1x3x16xf32, #tpu.memory_space<hbm>>
      %dma_start3A_1488 = tpu.memref_squeeze %dma_start3A_1487 : memref<1x3x16xf32, #tpu.memory_space<hbm>> -> memref<3x16xf32, #tpu.memory_space<hbm>>
      %dma_start3A_1489 = arith.constant 0 : i32
      %dma_start3A_1490 = arith.constant 0 : i32
      %dma_start3A_1491 = tpu.memref_slice %arg5[%add3A, %dma_start3A_1489, %dma_start3A_1490] : memref<16x3x16xf32, #tpu.memory_space<hbm>> -> memref<1x3x16xf32, #tpu.memory_space<hbm>>
      %dma_start3A_1492 = tpu.memref_squeeze %dma_start3A_1491 : memref<1x3x16xf32, #tpu.memory_space<hbm>> -> memref<3x16xf32, #tpu.memory_space<hbm>>
      tpu.enqueue_dma source(%arg9 : memref<3x16xf32, #tpu.memory_space<vmem>>) target(%dma_start3A_1492 : memref<3x16xf32, #tpu.memory_space<hbm>>) target_semaphore(%run_scoped3A : memref<!tpu.dma_semaphore, #tpu.memory_space<semaphore_mem>>)
      %dma_wait3A_1493 = arith.constant 0 : i32
      %dma_wait3A_1494 = arith.constant 0 : i32
      %dma_wait3A_1495 = tpu.memref_slice %arg5[%add3A, %dma_wait3A_1493, %dma_wait3A_1494] : memref<16x3x16xf32, #tpu.memory_space<hbm>> -> memref<1x3x16xf32, #tpu.memory_space<hbm>>
      %dma_wait3A_1496 = tpu.memref_squeeze %dma_wait3A_1495 : memref<1x3x16xf32, #tpu.memory_space<hbm>> -> memref<3x16xf32, #tpu.memory_space<hbm>>
      %dma_wait3A_1497 = arith.constant 0 : i32
      %dma_wait3A_1498 = arith.constant 0 : i32
      %dma_wait3A_1499 = tpu.memref_slice %arg5[%add3A, %dma_wait3A_1497, %dma_wait3A_1498] : memref<16x3x16xf32, #tpu.memory_space<hbm>> -> memref<1x3x16xf32, #tpu.memory_space<hbm>>
      %dma_wait3A_1500 = tpu.memref_squeeze %dma_wait3A_1499 : memref<1x3x16xf32, #tpu.memory_space<hbm>> -> memref<3x16xf32, #tpu.memory_space<hbm>>
      tpu.wait_dma2 semaphore(%run_scoped3A : memref<!tpu.dma_semaphore, #tpu.memory_space<semaphore_mem>>) src(%arg9 : memref<3x16xf32, #tpu.memory_space<vmem>>) dst(%dma_wait3A_1500 : memref<3x16xf32, #tpu.memory_space<hbm>>)
      tpu.yield
    }) : () -> ()
    return
  }
}

module attributes {stable_mosaic.version = 14 : i64} {
  func.func @_tc_body(%arg0: i32, %arg1: memref<256x4096xf32, #tpu.memory_space<vmem>>, %arg2: memref<1x4096xf32, #tpu.memory_space<vmem>>, %arg3: memref<256xf32, #tpu.memory_space<vmem>>, %arg4: memref<256xf32, #tpu.memory_space<vmem>>, %arg5: memref<1x1x128xf32, #tpu.memory_space<vmem>>, %arg6: memref<1x1x128xf32, #tpu.memory_space<vmem>>, %arg7: memref<1x1x128xf32, #tpu.memory_space<vmem>>) attributes {dimension_semantics = [#tpu.dimension_semantics<arbitrary>], iteration_bounds = array<i64: 15>, scalar_prefetch = 0 : i64, scratch_operands = 0 : i64, tpu.core_type = #tpu.core_type<tc>, window_params = [{transform_indices = @transform_0, window_bounds = array<i64: 256, 4096>}, {pipeline_mode = #tpu.pipeline_mode<synchronous>, transform_indices = @transform_1, window_bounds = array<i64: 1, 4096>}, {transform_indices = @transform_2, window_bounds = array<i64: 256>}, {transform_indices = @transform_3, window_bounds = array<i64: 256>}, {transform_indices = @transform_4, window_bounds = array<i64: 1, 1, 128>}, {transform_indices = @transform_5, window_bounds = array<i64: 1, 1, 128>}, {transform_indices = @transform_6, window_bounds = array<i64: 1, 1, 128>}]} {
    %get3A = arith.constant 0 : index
    %get3A_0 = arith.constant 0 : index
    %get3A_1 = vector.load %arg1[%get3A, %get3A_0] : memref<256x4096xf32, #tpu.memory_space<vmem>>, vector<256x4096xf32>
    %get3A_2 = arith.constant 0 : index
    %get3A_3 = arith.constant 0 : index
    %get3A_4 = vector.load %arg2[%get3A_2, %get3A_3] : memref<1x4096xf32, #tpu.memory_space<vmem>>, vector<1x4096xf32>
    %mul3A = vector.broadcast %get3A_4 : vector<1x4096xf32> to vector<256x4096xf32>
    %mul3A_5 = arith.mulf %get3A_1, %mul3A : vector<256x4096xf32>
    %reduce_sum3A = arith.constant dense<0.000000e+00> : vector<256xf32>
    %reduce_sum3A_6 = vector.multi_reduction <add>, %mul3A_5, %reduce_sum3A [1] : vector<256x4096xf32> to vector<256xf32>
    %get3A_7 = arith.constant 0 : index
    %get3A_8 = vector.load %arg3[%get3A_7] : memref<256xf32, #tpu.memory_space<vmem>>, vector<256xf32>
    %sub3A = arith.subf %get3A_8, %reduce_sum3A_6 : vector<256xf32>
    %neg3A = arith.constant 0.000000e+00 : f32
    %neg3A_9 = vector.broadcast %neg3A : f32 to vector<256xf32>
    %neg3A_10 = arith.subf %neg3A_9, %sub3A : vector<256xf32>
    %max3A = arith.constant 0.000000e+00 : f32
    %max3A_11 = vector.broadcast %max3A : f32 to vector<256xf32>
    %max3A_12 = arith.maximumf %neg3A_10, %max3A_11 : vector<256xf32>
    %get3A_13 = arith.constant 0 : index
    %get3A_14 = vector.load %arg4[%get3A_13] : memref<256xf32, #tpu.memory_space<vmem>>, vector<256xf32>
    %mul3A_15 = arith.mulf %max3A_12, %get3A_14 : vector<256xf32>
    %add3A = arith.addf %sub3A, %mul3A_15 : vector<256xf32>
    %abs3A = math.absf %add3A : vector<256xf32>
    %reduce_max3A = vector.shape_cast %abs3A : vector<256xf32> to vector<1x256xf32>
    %reduce_max3A_16 = arith.constant dense<0xFF800000> : vector<1xf32>
    %reduce_max3A_17 = vector.multi_reduction <maximumf>, %reduce_max3A, %reduce_max3A_16 [1] : vector<1x256xf32> to vector<1xf32>
    %reduce_max3A_18 = vector.shape_cast %reduce_max3A_17 : vector<1xf32> to vector<1x1xf32>
    %reduce_max3A_19 = vector.extract %reduce_max3A_18[0, 0] : f32 from vector<1x1xf32>
    %broadcast_in_dim3A = vector.broadcast %reduce_max3A_19 : f32 to vector<1x1x128xf32>
    %swap3A = arith.constant 0 : index
    %swap3A_20 = arith.constant 0 : index
    %swap3A_21 = arith.constant 0 : index
    %swap3A_22 = vector.load %arg5[%swap3A, %swap3A_20, %swap3A_21] : memref<1x1x128xf32, #tpu.memory_space<vmem>>, vector<1x1x128xf32>
    tpu.vector_store %arg5[%swap3A, %swap3A_20, %swap3A_21], %broadcast_in_dim3A {strides = array<i32>} : memref<1x1x128xf32, #tpu.memory_space<vmem>>, vector<1x1x128xf32>,
    %abs3A_23 = math.absf %reduce_sum3A_6 : vector<256xf32>
    %reduce_max3A_24 = vector.shape_cast %abs3A_23 : vector<256xf32> to vector<1x256xf32>
    %reduce_max3A_25 = arith.constant dense<0xFF800000> : vector<1xf32>
    %reduce_max3A_26 = vector.multi_reduction <maximumf>, %reduce_max3A_24, %reduce_max3A_25 [1] : vector<1x256xf32> to vector<1xf32>
    %reduce_max3A_27 = vector.shape_cast %reduce_max3A_26 : vector<1xf32> to vector<1x1xf32>
    %reduce_max3A_28 = vector.extract %reduce_max3A_27[0, 0] : f32 from vector<1x1xf32>
    %broadcast_in_dim3A_29 = vector.broadcast %reduce_max3A_28 : f32 to vector<1x1x128xf32>
    %swap3A_30 = arith.constant 0 : index
    %swap3A_31 = arith.constant 0 : index
    %swap3A_32 = arith.constant 0 : index
    %swap3A_33 = vector.load %arg6[%swap3A_30, %swap3A_31, %swap3A_32] : memref<1x1x128xf32, #tpu.memory_space<vmem>>, vector<1x1x128xf32>
    tpu.vector_store %arg6[%swap3A_30, %swap3A_31, %swap3A_32], %broadcast_in_dim3A_29 {strides = array<i32>} : memref<1x1x128xf32, #tpu.memory_space<vmem>>, vector<1x1x128xf32>,
    %abs3A_34 = math.absf %get3A_8 : vector<256xf32>
    %reduce_max3A_35 = vector.shape_cast %abs3A_34 : vector<256xf32> to vector<1x256xf32>
    %reduce_max3A_36 = arith.constant dense<0xFF800000> : vector<1xf32>
    %reduce_max3A_37 = vector.multi_reduction <maximumf>, %reduce_max3A_35, %reduce_max3A_36 [1] : vector<1x256xf32> to vector<1xf32>
    %reduce_max3A_38 = vector.shape_cast %reduce_max3A_37 : vector<1xf32> to vector<1x1xf32>
    %reduce_max3A_39 = vector.extract %reduce_max3A_38[0, 0] : f32 from vector<1x1xf32>
    %broadcast_in_dim3A_40 = vector.broadcast %reduce_max3A_39 : f32 to vector<1x1x128xf32>
    %swap3A_41 = arith.constant 0 : index
    %swap3A_42 = arith.constant 0 : index
    %swap3A_43 = arith.constant 0 : index
    %swap3A_44 = vector.load %arg7[%swap3A_41, %swap3A_42, %swap3A_43] : memref<1x1x128xf32, #tpu.memory_space<vmem>>, vector<1x1x128xf32>
    tpu.vector_store %arg7[%swap3A_41, %swap3A_42, %swap3A_43], %broadcast_in_dim3A_40 {strides = array<i32>} : memref<1x1x128xf32, #tpu.memory_space<vmem>>, vector<1x1x128xf32>,
    return
  }
  func.func @transform_0(%arg0: i32) -> (i32, i32) {
    %add3A = arith.constant 1 : i32
    %add3A_0 = arith.addi %add3A, %arg0 : i32
    %c0_i32 = arith.constant 0 : i32
    %c0_i32_1 = arith.constant 0 : i32
    return %add3A_0, %c0_i32 : i32, i32
  }
  func.func @transform_1(%arg0: i32) -> (i32, i32) {
    %c0_i32 = arith.constant 0 : i32
    %c0_i32_0 = arith.constant 0 : i32
    %c0_i32_1 = arith.constant 0 : i32
    return %c0_i32, %c0_i32_0 : i32, i32
  }
  func.func @transform_2(%arg0: i32) -> i32 {
    %add3A = arith.constant 1 : i32
    %add3A_0 = arith.addi %add3A, %arg0 : i32
    %c0_i32 = arith.constant 0 : i32
    return %add3A_0 : i32
  }
  func.func @transform_3(%arg0: i32) -> i32 {
    %add3A = arith.constant 1 : i32
    %add3A_0 = arith.addi %add3A, %arg0 : i32
    %c0_i32 = arith.constant 0 : i32
    return %add3A_0 : i32
  }
  func.func @transform_4(%arg0: i32) -> (i32, i32, i32) {
    %c0_i32 = arith.constant 0 : i32
    %c0_i32_0 = arith.constant 0 : i32
    %c0_i32_1 = arith.constant 0 : i32
    return %arg0, %c0_i32, %c0_i32_0 : i32, i32, i32
  }
  func.func @transform_5(%arg0: i32) -> (i32, i32, i32) {
    %c0_i32 = arith.constant 0 : i32
    %c0_i32_0 = arith.constant 0 : i32
    %c0_i32_1 = arith.constant 0 : i32
    return %arg0, %c0_i32, %c0_i32_0 : i32, i32, i32
  }
  func.func @transform_6(%arg0: i32) -> (i32, i32, i32) {
    %c0_i32 = arith.constant 0 : i32
    %c0_i32_0 = arith.constant 0 : i32
    %c0_i32_1 = arith.constant 0 : i32
    return %arg0, %c0_i32, %c0_i32_0 : i32, i32, i32
  }
}

module attributes {stable_mosaic.version = 14 : i64} {
  func.func @_combine_body(%arg0: memref<16x3x16xf32, #tpu.memory_space<vmem>>, %arg1: memref<15x1x128xf32, #tpu.memory_space<vmem>>, %arg2: memref<15x1x128xf32, #tpu.memory_space<vmem>>, %arg3: memref<15x1x128xf32, #tpu.memory_space<vmem>>, %arg4: memref<1x1xf32, #tpu.memory_space<vmem>>) attributes {dimension_semantics = [], scalar_prefetch = 0 : i64, scratch_operands = 0 : i64, tpu.core_type = #tpu.core_type<tc>} {
    %get3A = arith.constant 0 : index
    %get3A_0 = arith.constant 0 : index
    %get3A_1 = arith.constant 0 : index
    %get3A_2 = vector.load %arg0[%get3A, %get3A_0, %get3A_1] : memref<16x3x16xf32, #tpu.memory_space<vmem>>, vector<16x1x16xf32>
    %get3A_3 = vector.shape_cast %get3A_2 : vector<16x1x16xf32> to vector<16x16xf32>
    %reduce_max3A = vector.shape_cast %get3A_3 : vector<16x16xf32> to vector<1x16x16xf32>
    %reduce_max3A_4 = arith.constant dense<0xFF800000> : vector<1xf32>
    %reduce_max3A_5 = vector.multi_reduction <maximumf>, %reduce_max3A, %reduce_max3A_4 [1, 2] : vector<1x16x16xf32> to vector<1xf32>
    %reduce_max3A_6 = vector.shape_cast %reduce_max3A_5 : vector<1xf32> to vector<1x1x1xf32>
    %reduce_max3A_7 = vector.extract %reduce_max3A_6[0, 0, 0] : f32 from vector<1x1x1xf32>
    %get3A_8 = arith.constant 0 : index
    %get3A_9 = arith.constant 0 : index
    %get3A_10 = arith.constant 0 : index
    %get3A_11 = vector.load %arg1[%get3A_8, %get3A_9, %get3A_10] : memref<15x1x128xf32, #tpu.memory_space<vmem>>, vector<15x1x128xf32>
    %reduce_max3A_12 = vector.shape_cast %get3A_11 : vector<15x1x128xf32> to vector<1x15x1x128xf32>
    %reduce_max3A_13 = arith.constant dense<0xFF800000> : vector<1xf32>
    %reduce_max3A_14 = vector.multi_reduction <maximumf>, %reduce_max3A_12, %reduce_max3A_13 [1, 2, 3] : vector<1x15x1x128xf32> to vector<1xf32>
    %reduce_max3A_15 = vector.shape_cast %reduce_max3A_14 : vector<1xf32> to vector<1x1x1x1xf32>
    %reduce_max3A_16 = vector.extract %reduce_max3A_15[0, 0, 0, 0] : f32 from vector<1x1x1x1xf32>
    %max3A = arith.maximumf %reduce_max3A_7, %reduce_max3A_16 : f32
    %get3A_17 = arith.constant 0 : index
    %get3A_18 = arith.constant 1 : index
    %get3A_19 = arith.constant 0 : index
    %get3A_20 = vector.load %arg0[%get3A_17, %get3A_18, %get3A_19] : memref<16x3x16xf32, #tpu.memory_space<vmem>>, vector<16x1x16xf32>
    %get3A_21 = vector.shape_cast %get3A_20 : vector<16x1x16xf32> to vector<16x16xf32>
    %reduce_max3A_22 = vector.shape_cast %get3A_21 : vector<16x16xf32> to vector<1x16x16xf32>
    %reduce_max3A_23 = arith.constant dense<0xFF800000> : vector<1xf32>
    %reduce_max3A_24 = vector.multi_reduction <maximumf>, %reduce_max3A_22, %reduce_max3A_23 [1, 2] : vector<1x16x16xf32> to vector<1xf32>
    %reduce_max3A_25 = vector.shape_cast %reduce_max3A_24 : vector<1xf32> to vector<1x1x1xf32>
    %reduce_max3A_26 = vector.extract %reduce_max3A_25[0, 0, 0] : f32 from vector<1x1x1xf32>
    %get3A_27 = arith.constant 0 : index
    %get3A_28 = arith.constant 0 : index
    %get3A_29 = arith.constant 0 : index
    %get3A_30 = vector.load %arg2[%get3A_27, %get3A_28, %get3A_29] : memref<15x1x128xf32, #tpu.memory_space<vmem>>, vector<15x1x128xf32>
    %reduce_max3A_31 = vector.shape_cast %get3A_30 : vector<15x1x128xf32> to vector<1x15x1x128xf32>
    %reduce_max3A_32 = arith.constant dense<0xFF800000> : vector<1xf32>
    %reduce_max3A_33 = vector.multi_reduction <maximumf>, %reduce_max3A_31, %reduce_max3A_32 [1, 2, 3] : vector<1x15x1x128xf32> to vector<1xf32>
    %reduce_max3A_34 = vector.shape_cast %reduce_max3A_33 : vector<1xf32> to vector<1x1x1x1xf32>
    %reduce_max3A_35 = vector.extract %reduce_max3A_34[0, 0, 0, 0] : f32 from vector<1x1x1x1xf32>
    %max3A_36 = arith.maximumf %reduce_max3A_26, %reduce_max3A_35 : f32
    %get3A_37 = arith.constant 0 : index
    %get3A_38 = arith.constant 2 : index
    %get3A_39 = arith.constant 0 : index
    %get3A_40 = vector.load %arg0[%get3A_37, %get3A_38, %get3A_39] : memref<16x3x16xf32, #tpu.memory_space<vmem>>, vector<16x1x16xf32>
    %get3A_41 = vector.shape_cast %get3A_40 : vector<16x1x16xf32> to vector<16x16xf32>
    %reduce_max3A_42 = vector.shape_cast %get3A_41 : vector<16x16xf32> to vector<1x16x16xf32>
    %reduce_max3A_43 = arith.constant dense<0xFF800000> : vector<1xf32>
    %reduce_max3A_44 = vector.multi_reduction <maximumf>, %reduce_max3A_42, %reduce_max3A_43 [1, 2] : vector<1x16x16xf32> to vector<1xf32>
    %reduce_max3A_45 = vector.shape_cast %reduce_max3A_44 : vector<1xf32> to vector<1x1x1xf32>
    %reduce_max3A_46 = vector.extract %reduce_max3A_45[0, 0, 0] : f32 from vector<1x1x1xf32>
    %get3A_47 = arith.constant 0 : index
    %get3A_48 = arith.constant 0 : index
    %get3A_49 = arith.constant 0 : index
    %get3A_50 = vector.load %arg3[%get3A_47, %get3A_48, %get3A_49] : memref<15x1x128xf32, #tpu.memory_space<vmem>>, vector<15x1x128xf32>
    %reduce_max3A_51 = vector.shape_cast %get3A_50 : vector<15x1x128xf32> to vector<1x15x1x128xf32>
    %reduce_max3A_52 = arith.constant dense<0xFF800000> : vector<1xf32>
    %reduce_max3A_53 = vector.multi_reduction <maximumf>, %reduce_max3A_51, %reduce_max3A_52 [1, 2, 3] : vector<1x15x1x128xf32> to vector<1xf32>
    %reduce_max3A_54 = vector.shape_cast %reduce_max3A_53 : vector<1xf32> to vector<1x1x1x1xf32>
    %reduce_max3A_55 = vector.extract %reduce_max3A_54[0, 0, 0, 0] : f32 from vector<1x1x1x1xf32>
    %max3A_56 = arith.maximumf %reduce_max3A_46, %reduce_max3A_55 : f32
    %max3A_57 = arith.maximumf %max3A_36, %max3A_56 : f32
    %add3A = arith.constant 1.000000e+00 : f32
    %add3A_58 = arith.addf %add3A, %max3A_57 : f32
    %div3A = arith.divf %max3A, %add3A_58 : f32
    %reshape3A = vector.broadcast %div3A : f32 to vector<1x1xf32>
    %swap3A = arith.constant 0 : index
    %swap3A_59 = arith.constant 0 : index
    %swap3A_60 = vector.load %arg4[%swap3A, %swap3A_59] : memref<1x1xf32, #tpu.memory_space<vmem>>, vector<1x1xf32>
    tpu.vector_store %arg4[%swap3A, %swap3A_59], %reshape3A {strides = array<i32>} : memref<1x1xf32, #tpu.memory_space<vmem>>, vector<1x1xf32>,
    return
  }
}

</mosaic_0001>

<sc_bundles>
// kernel: kernel.5.cloned.1.call-start
scs
__scs_entry_jumppad:
0x0: {  	(pc) =	sbr.rel $0x88, $3  }
0x1: {  	(tag) =	ssettag $0x0;
	lr =	simm.s32 $0x1  }
0x2: {  	[smem:$0x3F99] =	sst lr;
	_ =	strace $0xD0000000  }
0x3: {  	_ = 	snop  }
0x4: {  	_ = 	snop  }
0x5: {  	_ = 	snop  }
0x6: {  	_ = 	snop  }
0x7: {  	_ = 	snop  }
__scs_overlays_trampoline_lowered:
0x8: {  	[smem:$0x3FA8] =	sst s0  }
0x9: {  	[smem:$0x3FA9] =	sst s1  }
0xa: {  	[smem:$0x3FAA] =	sst s2  }
0xb: {  	[smem:$0x3FAB] =	sst s3  }
0xc: {  	[smem:$0x3FAC] =	sst s4  }
0xd: {  	[smem:$0x3FAD] =	sst s5  }
0xe: {  	[smem:$0x3FAE] =	sst s6  }
0xf: {  	[smem:$0x3FAF] =	sst s7  }
0x10: {  	[smem:$0x3FB0] =	sst s8  }
0x11: {  	[smem:$0x3FB1] =	sst s9;
	s0 =	simm.s32 @!p0 $0x0  }
0x12: {  	s1 =	sld [smem:$0x3F97];
	s0 =	simm.s32 @p0 $0x1  }
0x13: {  	[smem:$0x3FB2] =	sst s0;
	s0 =	simm.s32 @!p1 $0x0  }
0x14: {  	s2 =	sld [smem:$0x3F96];
	s0 =	simm.s32 @p1 $0x1  }
0x15: {  	[smem:$0x3FB3] =	sst s0;
	s0 =	simm.s32 @!p2 $0x0  }
0x16: {  	s3 =	sld [smem:$0x3FDB];
	s0 =	simm.s32 @p2 $0x1  }
0x17: {  	s4 =	simm.s32 $0x1BF5;
	[smem:$0x3FB5] =	sst s0  }
0x18: {  	s0 =	sld [smem:$0x3F98];
	_ =	swait.ge [sflag:s4], $0x0  }
0x19: {  	s7 =	sld [smem:$0x3F99]  }
0x1a: {  	s8 =	sadd.s32 $0xFFFFE003, lr  }
0x1b: {  	s9 =	sadd.s32 $0xFFFFFEF7, lr;
	s5 =	simm.s32 $0xFFFFFFFF;
	p2 =	slt.u32 s8, $0xFFFFF086  }
0x1c: {  	p1 =	slt.u32 s9, $0xF7A;
	s5 =	simm.s32 @!p2 $0x0  }
0x1d: {  	s5 =	simm.s32 @p1 $0x1;
	p0 =	seq.s32 s7, s2  }
0x1e: {  	s7 =	smul.u32 @!p0 $0xF7A, s2;
	p2 =	seq.s32 @!p0 s5, $0x0  }
0x1f: {  	s9 =	smul.u32 $0xF7A, s1;
	s8 =	simm.s32 @!p0 $0x1BF5;
	p2 =	por !p2, p0  }
0x20: {  	[sflag:s8] =	ssyncset.s32 @!p0 $0xFFFFF086;
	s6 =	sadd.s32 @!p0 s3, s7;
	s7 =	simm.s32 @!p0 $0x108  }
0x21: {  	s3 =	sadd.s32 s3, s9;
	s6 =	sadd.s32 @!p0 $0x88, s6;
	s7 =	simm.s32 @p2 $0x1082  }
0x22: {  	[simem:s7], [sflag:s8] =	dma.local @!p0 [hbm:s6], $0xF7A  }
0x23: {  	s9 =	sor.u32 $0xD0000000, s2;
	s6 =	simm.s32 $0x108;
	_ =	swait.ge @!p0 [sflag:s8], $0x0  }
0x24: {  	s3 =	sadd.s32 $0x88, s3;
	s6 =	simm.s32 @!p1 $0x1082;
	[sflag:s4] =	ssyncset.s32 $0xFFFFF086  }
0x25: {  	[simem:s6], [sflag:s4] =	dma.local [hbm:s3], $0xF7A  }
0x26: {  	[smem:$0x3F99] =	sst s1;
	(tag) =	ssettag s2;
	_ =	strace s9  }
0x27: {  	s1 =	sld [smem:$0x3FA9]  }
0x28: {  	s2 =	sld [smem:$0x3FAA]  }
0x29: {  	s4 =	sld [smem:$0x3FAC]  }
0x2a: {  	p0 =	seq.s32 s5, $0x0;
	s5 =	sld [smem:$0x3FAD]  }
0x2b: {  	s6 =	sld [smem:$0x3FAE]  }
0x2c: {  	s7 =	sld [smem:$0x3FAF]  }
0x2d: {  	s3 =	simm.s32 $0x108;
	s8 =	sld [smem:$0x3FB0]  }
0x2e: {  	s3 =	simm.s32 @!p0 $0x1082;
	s9 =	sld [smem:$0x3FB1]  }
0x2f: {  	lr =	sadd.s32 s0, s3;
	s0 =	sld [smem:$0x3FA8]  }
0x30: {  	s3 =	sld [smem:$0x3FAB]  }
0x31: {  	[smem:$0x3FB4] =	sst s10  }
0x32: {  	s10 =	sld [smem:$0x3FB2];
	_ =	sdelay $0x3  }
0x33: {  	p0 =	seq.s32 s10, $0x1;
	s10 =	sld [smem:$0x3FB4];
	_ =	sdelay $0x3  }
0x34: {  	[smem:$0x3FB4] =	sst s10  }
0x35: {  	s10 =	sld [smem:$0x3FB3];
	_ =	sdelay $0x3  }
0x36: {  	p1 =	seq.s32 s10, $0x1;
	s10 =	sld [smem:$0x3FB4];
	_ =	sdelay $0x3  }
0x37: {  	[smem:$0x3FB4] =	sst s10  }
0x38: {  	s10 =	sld [smem:$0x3FB5]  }
0x39: {  	_ = 	snop;
	(pc) =	sbr.ind lr, $3  }
0x3a: {  	_ = 	snop  }
0x3b: {  	_ = 	snop  }
0x3c: {  	p2 =	seq.s32 s10, $0x1;
	s10 =	sld [smem:$0x3FB4]  }
0x3d: {  	_ =	shalt  }
0x3e: {  	_ =	shalt  }
0x3f: {  	_ =	shalt  }
0x40: {  	_ =	shalt  }
0x41: {  	_ =	shalt  }
0x42: {  	_ =	shalt  }
0x43: {  	_ =	shalt  }
0x44: {  	_ =	shalt  }
0x45: {  	_ =	shalt  }
0x46: {  	_ =	shalt  }
0x47: {  	_ =	shalt  }
0x48: {  	_ =	shalt  }
0x49: {  	_ =	shalt  }
0x4a: {  	_ =	shalt  }
0x4b: {  	_ =	shalt  }
0x4c: {  	_ =	shalt  }
0x4d: {  	_ =	shalt  }
0x4e: {  	_ =	shalt  }
0x4f: {  	_ =	shalt  }
0x50: {  	_ =	shalt  }
0x51: {  	_ =	shalt  }
0x52: {  	_ =	shalt  }
0x53: {  	_ =	shalt  }
0x54: {  	_ =	shalt  }
0x55: {  	_ =	shalt  }
0x56: {  	_ =	shalt  }
0x57: {  	_ =	shalt  }
0x58: {  	_ =	shalt  }
0x59: {  	_ =	shalt  }
0x5a: {  	_ =	shalt  }
0x5b: {  	_ =	shalt  }
0x5c: {  	_ =	shalt  }
0x5d: {  	_ =	shalt  }
0x5e: {  	_ =	shalt  }
0x5f: {  	_ =	shalt  }
0x60: {  	_ =	shalt  }
0x61: {  	_ =	shalt  }
0x62: {  	_ =	shalt  }
0x63: {  	_ =	shalt  }
0x64: {  	_ =	shalt  }
0x65: {  	_ =	shalt  }
0x66: {  	_ =	shalt  }
0x67: {  	_ =	shalt  }
0x68: {  	_ =	shalt  }
0x69: {  	_ =	shalt  }
0x6a: {  	_ =	shalt  }
0x6b: {  	_ =	shalt  }
0x6c: {  	_ =	shalt  }
0x6d: {  	_ =	shalt  }
0x6e: {  	_ =	shalt  }
0x6f: {  	_ =	shalt  }
0x70: {  	_ =	shalt  }
0x71: {  	_ =	shalt  }
0x72: {  	_ =	shalt  }
0x73: {  	_ =	shalt  }
0x74: {  	_ =	shalt  }
0x75: {  	_ =	shalt  }
0x76: {  	_ =	shalt  }
0x77: {  	_ =	shalt  }
0x78: {  	_ =	shalt  }
0x79: {  	_ =	shalt  }
0x7a: {  	_ =	shalt  }
0x7b: {  	_ =	shalt  }
0x7c: {  	_ =	shalt  }
0x7d: {  	_ =	shalt  }
0x7e: {  	_ =	shalt  }
0x7f: {  	_ =	shalt  }
0x80: {  	_ =	shalt  }
0x81: {  	_ =	shalt  }
0x82: {  	_ =	shalt  }
0x83: {  	_ =	shalt  }
0x84: {  	_ =	shalt  }
0x85: {  	_ =	shalt  }
0x86: {  	_ =	shalt  }
0x87: {  	_ =	shalt  }
.Lfunc_end0:
.L_simem_size_0:
called_computation_lowered:
.L_overlay_start_0:
0x88: {  	s0 =	sld [smem:$0x3FD9]  }
0x89: {  	s1 =	sld [smem:$0x3FFE];
	_ =	sdelay $0x3  }
0x8a: {  	s0 =	sadd.s32 s1, s0  }
0x8b: {  	[smem:$0x3FC0] =	sst s0  }
0x8c: {  	_ = 	snop  }
0x8d: {  	s0 =	sld [smem:$0x3FC9]  }
0x8e: {  	s16 =	sld [smem:$0x3FC7];
	(tm) =	ssettm $0x1  }
0x8f: {  	s2 =	sld [smem:$0x3FFB];
	_ =	sdelay $0x3  }
0x90: {  	_ =	strace s2  }
0x91: {  	s2 =	sld [smem:$0x3FFC];
	_ =	sdelay $0x3  }
0x92: {  	_ =	strace s2  }
0x93: {  	s2 =	sld [smem:$0x3FFD];
	_ =	sdelay $0x3  }
0x94: {  	_ =	strace s2  }
0x95: {  	_ =	strace $0x8FFFFFFF  }
0x96: {  	s17 =	sld [smem:$0x3FDB];
	_ =	sdelay $0x1  }
0x97: {  	s3 =	simm.s32 $_scs_section_size  }
0x98: {  	s4 =	simm.s32 $_size__tile_overlayer_lowered;
	s5 =	simm.s32 $_tile_overlayer_lowered  }
0x99: {  	s20 =	simm.s32 $0x1BFF;
	s19 =	sshll.u32 s5, $0x1;
	s2 =	sadd.s32 s3, s17  }
0x9a: {  	s6 =	simm.s32 $0x0;
	s18 =	sshll.u32 s4, $0x1;
	s4 =	sadd.s32 s19, s2  }
0x9b: {  	[timem:s6], [sflag:s20] =	dma.local [hbm:s4], s18  }
0x9c: {  	_ =	swait.ge [sflag:s20], s18  }
0x9d: {  	s3 =	ssub.s32 $0x0, s18;
	[sflag:s20] =	ssyncset.done $0x0  }
0x9e: {  	[sflag:s20] =	ssyncadd.s32 s3;
	_ =	sdelay $0x1  }
0x9f: {  	s21 =	simm.s32 $0x1B8B  }
0xa0: {  	_ =	swait.ge [sflag:s21], $0x1  }
0xa1: {  	[sflag:s21] =	ssyncset.done $0x0  }
0xa2: {  	s23 =	simm.s32 $0x1B8E;
	s22 =	sld [smem:$0x3FFE];
	[sflag:s21] =	ssyncadd.s32 $0xFFFFFFFF  }
0xa3: {  	s24 =	simm.s32 $execute0_lowered;
	[smem:$0x3FD2] =	sst s23  }
0xa4: {  	s4 =	sshll.u32 s24, $0x1;
	_ =	strace $0x80000046;
	[dreg:$0x1] =	wrdreg $0xFFFFFFFF  }
0xa5: {  	s25 =	simm.s32 $_size_execute0_lowered;
	s2 =	sadd.s32 s2, s4;
	[dreg:$0x0] =	wrdreg $0x0  }
0xa6: {  	s4 =	sshll.u32 s25, $0x1;
	[dreg:$0x2] =	wrdreg s2  }
0xa7: {  	[dreg:$0x3] =	wrdreg s4  }
0xa8: {  	[dreg:$0x4] =	wrdreg $0xC0  }
0xa9: {  	_ =	task [dreg:s6], $0x5FFFF  }
0xaa: {  	[dreg:$0x1] =	wrdreg $0xFFFFFFFF  }
0xab: {  	[dreg:$0x0] =	wrdreg $0x60  }
0xac: {  	[dreg:$0x2] =	wrdreg s0  }
0xad: {  	[dreg:$0x3] =	wrdreg s16  }
0xae: {  	[dreg:$0x4] =	wrdreg s22  }
0xaf: {  	[dreg:$0x5] =	wrdreg $0x9  }
0xb0: {  	_ =	task.clear_ibuf [dreg:s6], $0x6FFFF;
	_ =	strace $0x90000046  }
0xb1: {  	s26 =	simm.s32 $0x9;
	_ =	strace $0x80000048  }
0xb2: {  	_ =	swait.ge [sflag:s26], $0x1  }
0xb3: {  	[sflag:s26] =	ssyncadd.s32 $0xFFFFFFFF  }
0xb4: {  	_ =	strace $0x90000048  }
0xb5: {  	_ =	sfence  }
0xb6: {  	s28 =	sld [smem:$0x0];
	_ =	sdelay $0x1  }
0xb7: {  	s29 =	srdreg.scid  }
0xb8: {  	s30 =	sshll.u32 s29, $0xD;
	s31 =	sshrl.u32 s29, $0x2  }
0xb9: {  	s1 =	sand.u32 $0x1, s29;
	s2 =	sand.u32 $0x4000, s30;
	s0 =	sadd.s32 s31, s28  }
0xba: {  	s1 =	sor.u32 s2, s1;
	s0 =	sshll.u32 s0, $0x11  }
0xbb: {  	s0 =	sor.u32 s0, s1  }
0xbc: {  	s0 =	sadd.s32 $0x8F2B, s0  }
0xbd: {  	[sflag:s0] =	ssyncadd.remote.s32 $0x1  }
0xbe: {  	_ =	sfence.sel $0xFFFF  }
0xbf: {  	[dreg:$0x0] =	wrdreg $0xFFFFFFFF;
	(pc) =	sbr.abs _section_cstart, $3  }
0xc0: {  	[dreg:$0x1] =	wrdreg $0xFFFFFFFF  }
0xc1: {  	_ =	task.clear_ibuf [dreg:s6], $0x2FFFF;
	_ =	strace $0x9FFFFFFF  }
0xc2: {  	(tm) =	ssettm $0x7FFFFFFF  }
0xc3: {  	_ =	shalt  }
tec
execute0_lowered:
.L_overlay_start_1:
0x0: {  	(tag) =	ssettag $0x1  }
0x1: {  	s4 =	rddreg [dreg:$0x0]  }
0x2: {  	s5 =	rddreg [dreg:$0x1]  }
0x3: {  	s2 =	rddreg [dreg:$0x2]  }
0x4: {  	s0 =	rddreg [dreg:$0x3]  }
0x5: {  	s3 =	simm.s32 $0x0;
	s1 =	stileid.u32;
	s17 =	simm.s32 $0x10000  }
0x6: {  	[smem:$0x7FF] =	sst s3;
	s6 =	sshll.u32 s1, $0xD;
	s16 =	sshrl.u32 s1, $0x3  }
0x7: {  	s7 =	sshll.u32 s1, $0x7;
	_ =	strace $0x80000047;
	s4 =	sadd.s32 s4, s6  }
0x8: {  	[tilespmem:s3], [sflag:$0x1] =	stream.linear.gather [hbm4b:s4+s3], $0x10000, $0x38;
	[tilespmem:$0x11680] =	vst v63  }
0x9: {  	s19 =	simm.s32 $0x2;
	s6 =	smul.u32 $0x2400, s16;
	s18 =	sand.u32 $0x380, s7  }
0xa: {  	[tilespmem:s17], [sflag:$0x2] =	stream.linear.gather [hbm4b:s5+s3], $0x1000, $0x38;
	[tilespmem:$0x11680] =	vst v63  }
0xb: {  	s20 =	simm.s32 $0x80;
	s5 =	sor.u32 s18, s6;
	_ =	swait.ge [sflag:s19], $0x1000  }
0xc: {  	s8 =	simm.s32 $0x400;
	s5 =	sshrl.u32 s5, $0x3;
	[sflag:s19] =	ssyncset.done $0x0  }
0xd: {  	s9 =	simm.s32 $0x11000;
	s5 =	sadd.s32 s2, s5;
	[sflag:s19] =	ssyncadd.s32 $0xFFFFF000  }
0xe: {  	[tilespmem:s9], [sflag:$0x2] =	stream.strided.gather [hbm4b:s5+s20], $0x480, s8, s20, $0x38;
	[tilespmem:$0x11680] =	vst v63  }
0xf: {  	_ =	swait.ge [sflag:s19], $0x480  }
0x10: {  	[sflag:s19] =	ssyncset.done $0x0  }
0x11: {  	[sflag:s19] =	ssyncadd.s32 $0xFFFFFB80  }
0x12: {  	v5 =	vld [tilespmem:$0x11240];
	_ =	sdelay $0x4  }
0x13: {  	[tilespmem:$0x1FCE0] =	vst v5;
	v5 =	vld [tilespmem:$0x11340];
	_ =	sdelay $0x4  }
0x14: {  	[tilespmem:$0x1FCF0] =	vst v5;
	v5 =	vld [tilespmem:$0x11350];
	_ =	sdelay $0x4  }
0x15: {  	[tilespmem:$0x1FD00] =	vst v5;
	v5 =	vld [tilespmem:$0x11060];
	_ =	sdelay $0x4  }
0x16: {  	[tilespmem:$0x1FD10] =	vst v5;
	v5 =	vld [tilespmem:$0x11260];
	_ =	sdelay $0x4  }
0x17: {  	[tilespmem:$0x1FD20] =	vst v5;
	v5 =	vld [tilespmem:$0x11360];
	_ =	sdelay $0x4  }
0x18: {  	[tilespmem:$0x1FD30] =	vst v5;
	v5 =	vld [tilespmem:$0x11070];
	_ =	sdelay $0x4  }
0x19: {  	[tilespmem:$0x1FD40] =	vst v5;
	v5 =	vld [tilespmem:$0x11170];
	_ =	sdelay $0x4  }
0x1a: {  	[tilespmem:$0x1FD50] =	vst v5;
	v5 =	vld [tilespmem:$0x11270];
	_ =	sdelay $0x4  }
0x1b: {  	[tilespmem:$0x1FD60] =	vst v5;
	v5 =	vld [tilespmem:$0x11370];
	_ =	sdelay $0x4  }
0x1c: {  	[tilespmem:$0x1FD70] =	vst v5;
	v5 =	vld [tilespmem:$0x11080];
	_ =	sdelay $0x4  }
0x1d: {  	[tilespmem:$0x1FD80] =	vst v5;
	v5 =	vld [tilespmem:$0x11180];
	_ =	sdelay $0x4  }
0x1e: {  	[tilespmem:$0x1FD90] =	vst v5;
	v5 =	vld [tilespmem:$0x11280];
	_ =	sdelay $0x4  }
0x1f: {  	[tilespmem:$0x1FDA0] =	vst v5;
	v5 =	vld [tilespmem:$0x11380];
	_ =	sdelay $0x4  }
0x20: {  	[tilespmem:$0x1FDB0] =	vst v5;
	v5 =	vld [tilespmem:$0x11090];
	_ =	sdelay $0x4  }
0x21: {  	[tilespmem:$0x1FDC0] =	vst v5;
	v5 =	vld [tilespmem:$0x11190];
	_ =	sdelay $0x4  }
0x22: {  	[tilespmem:$0x1FDD0] =	vst v5;
	v5 =	vld [tilespmem:$0x11290];
	_ =	sdelay $0x4  }
0x23: {  	[tilespmem:$0x1FDE0] =	vst v5;
	v5 =	vld [tilespmem:$0x11390];
	_ =	sdelay $0x4  }
0x24: {  	[tilespmem:$0x1FDF0] =	vst v5;
	v5 =	vld [tilespmem:$0x110A0];
	_ =	sdelay $0x4  }
0x25: {  	[tilespmem:$0x1FE00] =	vst v5;
	v5 =	vld [tilespmem:$0x111A0];
	_ =	sdelay $0x4  }
0x26: {  	[tilespmem:$0x1FE10] =	vst v5;
	v5 =	vld [tilespmem:$0x112A0];
	_ =	sdelay $0x4  }
0x27: {  	[tilespmem:$0x1FE20] =	vst v5;
	v5 =	vld [tilespmem:$0x113A0];
	_ =	sdelay $0x4  }
0x28: {  	[tilespmem:$0x1FE30] =	vst v5;
	v5 =	vld [tilespmem:$0x110B0];
	_ =	sdelay $0x4  }
0x29: {  	[tilespmem:$0x1FE40] =	vst v5;
	v5 =	vld [tilespmem:$0x111B0];
	_ =	sdelay $0x4  }
0x2a: {  	[tilespmem:$0x1FE50] =	vst v5;
	v5 =	vld [tilespmem:$0x112B0];
	_ =	sdelay $0x4  }
0x2b: {  	[tilespmem:$0x1FE60] =	vst v5;
	v5 =	vld [tilespmem:$0x113B0];
	_ =	sdelay $0x4  }
0x2c: {  	[tilespmem:$0x1FE70] =	vst v5;
	v5 =	vld [tilespmem:$0x110C0];
	_ =	sdelay $0x4  }
0x2d: {  	[tilespmem:$0x1FE80] =	vst v5;
	v5 =	vld [tilespmem:$0x111C0];
	_ =	sdelay $0x4  }
0x2e: {  	[tilespmem:$0x1FE90] =	vst v5;
	v5 =	vld [tilespmem:$0x112C0];
	_ =	sdelay $0x4  }
0x2f: {  	[tilespmem:$0x1FEA0] =	vst v5;
	v5 =	vld [tilespmem:$0x113C0];
	_ =	sdelay $0x4  }
0x30: {  	[tilespmem:$0x1FEB0] =	vst v5;
	v5 =	vld [tilespmem:$0x110D0];
	_ =	sdelay $0x4  }
0x31: {  	[tilespmem:$0x1FEC0] =	vst v5;
	v5 =	vld [tilespmem:$0x111D0];
	_ =	sdelay $0x4  }
0x32: {  	[tilespmem:$0x1FED0] =	vst v5;
	v5 =	vld [tilespmem:$0x112D0];
	_ =	sdelay $0x4  }
0x33: {  	[tilespmem:$0x1FEE0] =	vst v5;
	v5 =	vld [tilespmem:$0x113D0];
	_ =	sdelay $0x4  }
0x34: {  	[tilespmem:$0x1FEF0] =	vst v5;
	v5 =	vld [tilespmem:$0x110E0];
	_ =	sdelay $0x4  }
0x35: {  	[tilespmem:$0x1FF00] =	vst v5;
	v5 =	vld [tilespmem:$0x111E0];
	_ =	sdelay $0x4  }
0x36: {  	[tilespmem:$0x1FF10] =	vst v5;
	v5 =	vld [tilespmem:$0x112E0];
	_ =	sdelay $0x4  }
0x37: {  	[tilespmem:$0x1FF20] =	vst v5;
	v5 =	vld [tilespmem:$0x113E0];
	_ =	sdelay $0x4  }
0x38: {  	s21 =	sshll.u32 s1, $0x8;
	[tilespmem:$0x1FF30] =	vst v5;
	v5 =	vld [tilespmem:$0x110F0]  }
0x39: {  	v13 =	vld [tilespmem:s21+$0x10000]  }
0x3a: {  	v17 =	vld [tilespmem:$0x11020]  }
0x3b: {  	v19 =	vld [tilespmem:$0x11120]  }
0x3c: {  	v16 =	vld [tilespmem:$0x11220]  }
0x3d: {  	[tilespmem:$0x1FF40] =	vst v5;
	v5 =	vld [tilespmem:$0x111F0]  }
0x3e: {  	v10 =	vld [tilespmem:$0x11320]  }
0x3f: {  	v8 =	vld [tilespmem:s21+$0x10010]  }
0x40: {  	v14 =	vld [tilespmem:$0x11030]  }
0x41: {  	v15 =	vld [tilespmem:$0x11130]  }
0x42: {  	[tilespmem:$0x1FF50] =	vst v5;
	v5 =	vld [tilespmem:$0x112F0]  }
0x43: {  	v1 =	vld [tilespmem:$0x11230]  }
0x44: {  	v2 =	vld [tilespmem:$0x11330]  }
0x45: {  	v0 =	vld [tilespmem:s21+$0x10020]  }
0x46: {  	v3 =	vld [tilespmem:$0x11040]  }
0x47: {  	[tilespmem:$0x1FF60] =	vst v5;
	v5 =	vld [tilespmem:$0x113F0]  }
0x48: {  	v4 =	vld [tilespmem:$0x11140]  }
0x49: {  	v6 =	vld [tilespmem:s21+$0x10030]  }
0x4a: {  	v12 =	vld [tilespmem:$0x11050]  }
0x4b: {  	v20 =	vld [tilespmem:$0x11110]  }
0x4c: {  	[tilespmem:$0x1FF70] =	vst v5;
	v5 =	vld [tilespmem:$0x11100]  }
0x4d: {  	v9 =	vld [tilespmem:$0x11150]  }
0x4e: {  	v63 =	vld [tilespmem:$0x11250]  }
0x4f: {  	v58 =	vld [tilespmem:s21+$0x10040]  }
0x50: {  	[tilespmem:$0x1FFC0] =	vst v20;
	v20 =	vld [tilespmem:$0x11210]  }
0x51: {  	[tilespmem:$0x1FF80] =	vst v5;
	v5 =	vld [tilespmem:$0x11200]  }
0x52: {  	v62 =	vld [tilespmem:$0x11160]  }
0x53: {  	v45 =	vld [tilespmem:s21+$0x10050]  }
0x54: {  	v47 =	vld [tilespmem:s21+$0x10060]  }
0x55: {  	[tilespmem:$0x1FFD0] =	vst v20;
	v20 =	vld [tilespmem:$0x11310]  }
0x56: {  	[tilespmem:$0x1FF90] =	vst v5;
	v5 =	vld [tilespmem:$0x11300]  }
0x57: {  	v51 =	vld [tilespmem:s21+$0x10070]  }
0x58: {  	v38 =	vld [tilespmem:s21+$0x10080]  }
0x59: {  	v32 =	vld [tilespmem:s21+$0x10090]  }
0x5a: {  	[tilespmem:$0x1FFE0] =	vst v20;
	v20 =	vld [tilespmem:$0x11410]  }
0x5b: {  	[tilespmem:$0x1FFA0] =	vst v5;
	v5 =	vld [tilespmem:$0x11400]  }
0x5c: {  	v26 =	vld [tilespmem:s21+$0x100A0]  }
0x5d: {  	v28 =	vld [tilespmem:s21+$0x100B0]  }
0x5e: {  	v18 =	vld [tilespmem:s21+$0x100C0]  }
0x5f: {  	v11 =	vld [tilespmem:s21+$0x100D0];
	[tilespmem:$0x1FFF0] =	vst v20  }
0x60: {  	s22 =	simm.s32 $0x1;
	v7 =	vld [tilespmem:s21+$0x100E0];
	[tilespmem:$0x1FFB0] =	vst v5  }
0x61: {  	s23 =	sand.u32 $0x7, s3;
	v5 =	vld [tilespmem:s21+$0x100F0];
	_ =	swait.ge [sflag:s22], $0x10000  }
0x62: {  	s6 =	sshll.u32 s23, $0x4;
	[sflag:s22] =	ssyncset.done $0x0  }
0x63: {  	s24 =	simm.s32 $0x0;
	s6 =	sadd.s32 $0x0, s6;
	[sflag:s22] =	ssyncadd.s32 $0xFFFF0000  }
0x64: {  	s3 =	sand.u32 $0x7C00, s3;
	s6 =	sor.u32 $0x380, s6;
	s5 =	sand.u32 $0x70, s24;
	v21 =	vld [tilespmem:s17+$0x0]  }
0x65: {  	s3 =	sor.u32 s5, s3;
	v20 =	vld [tilespmem:s6+$0x0]  }
0x66: {  	v22 =	vld [tilespmem:s3+$0x0]  }
0x67: {  	v23 =	vld [tilespmem:s3+$0x80]  }
0x68: {  	s25 =	simm.s32 $0x1;
	v24 =	vld [tilespmem:s3+$0x100]  }
0x69: {  	s26 =	sand.u32 $0x7, s25;
	v30 =	vld [tilespmem:s3+$0x180]  }
0x6a: {  	s28 =	sshll.u32 s26, $0x4;
	v36 =	vld [tilespmem:s3+$0x280]  }
0x6b: {  	s29 =	sadd.s32 $0x80, s28;
	v33 =	vld [tilespmem:s3+$0x200]  }
0x6c: {  	s4 =	simm.s32 $0x10;
	s7 =	sor.u32 $0x380, s29;
	s5 =	simm.s32 $0x80;
	v37 =	vld [tilespmem:s3+$0x300]  }
0x6d: {  	s30 =	sand.u32 $0x70, s4;
	s31 =	sand.u32 $0x7C00, s5;
	s6 =	simm.s32 $0x10010;
	v34 =	vld [tilespmem:s7+$0x0];
	v25 =	vmul.f32 v20, v21;
	v22 =	vmul.f32 v22, v21  }
0x6e: {  	v27 =	vimm.f32 $0.0e+00;
	s3 =	sor.u32 s30, s31;
	v20 =	vld [tilespmem:s6+$0x0];
	v23 =	vmul.f32 v23, v21;
	v30 =	vmul.f32 v30, v21  }
0x6f: {  	v35 =	vld [tilespmem:s3+$0x0];
	v39 =	vmul.f32 v36, v21;
	v29 =	vadd.f32 v22, v27;
	v22 =	vmul.f32 v24, v21  }
0x70: {  	v36 =	vld [tilespmem:s3+$0x80];
	v25 =	vadd.f32 v25, v27;
	v31 =	vadd.f32 v23, v27;
	v23 =	vmul.f32 v33, v21  }
0x71: {  	v37 =	vmul.f32 v37, v21;
	v33 =	vld [tilespmem:s3+$0x100];
	v21 =	vadd.f32 v39, v27;
	v24 =	vadd.f32 v22, v27  }
0x72: {  	s2 =	sadd.s32 $0xA00, s2;
	s7 =	simm.s32 $0x2;
	v22 =	vadd.f32 v30, v27;
	v23 =	vadd.f32 v23, v27;
	v30 =	vld [tilespmem:s3+$0x180]  }
.LBB2_1:
0x73: {  	s8 =	sand.u32 $0x7, s7;
	s4 =	sadd.s32 $0x10, s4;
	v39 =	vld [tilespmem:s3+$0x200];
	v34 =	vmul.f32 v34, v20;
	v27 =	vadd.f32 v37, v27  }
0x74: {  	s5 =	sadd.s32 $0x80, s5;
	s8 =	sshll.u32 s8, $0x4;
	s9 =	sand.u32 $0x70, s4;
	v35 =	vmul.f32 v35, v20;
	v37 =	vld [tilespmem:s3+$0x280]  }
0x75: {  	s6 =	sadd.s32 $0x10, s6;
	s10 =	sand.u32 $0x7C00, s5;
	s8 =	sadd.s32 s8, s5;
	v36 =	vmul.f32 v36, v20;
	v40 =	vld [tilespmem:s3+$0x300];
	v25 =	vadd.f32 v34, v25  }
0x76: {  	p0 =	slt.u32 s4, $0xFF0;
	s3 =	sor.u32 s9, s10;
	v41 =	vld [tilespmem:s6+$0x0];
	s8 =	sor.u32 $0x380, s8;
	v29 =	vadd.f32 v35, v29;
	v33 =	vmul.f32 v33, v20  }
.Ltmp0:
0x77: {  	v34 =	vld [tilespmem:s8+$0x0];
	v31 =	vadd.f32 v36, v31;
	v30 =	vmul.f32 v30, v20;
	(pc) =	sbr.rel @p0 .LBB2_1-.Ltmp0, $4  }
0x78: {  	v35 =	vld [tilespmem:s3+$0x0];
	v24 =	vadd.f32 v33, v24;
	v39 =	vmul.f32 v39, v20  }
0x79: {  	v36 =	vld [tilespmem:s3+$0x80];
	v22 =	vadd.f32 v30, v22;
	v42 =	vmul.f32 v37, v20  }
0x7a: {  	v33 =	vld [tilespmem:s3+$0x100];
	v23 =	vadd.f32 v39, v23;
	v37 =	vmul.f32 v40, v20  }
0x7b: {  	s7 =	sadd.s32 $0x1, s7;
	v30 =	vld [tilespmem:s3+$0x180];
	v21 =	vadd.f32 v42, v21;
	v20 =	vmov v41  }
0x7c: {  	v39 =	vimm.s32 $0xFEDCBA98;
	v40 =	vimm.s32 $0x76543210;
	v34 =	vmul.f32 v34, v20  }
0x7d: {  	v41 =	vimm.s32 $0xBA98FEDC;
	v42 =	vimm.s32 $0x32107654;
	v37 =	vadd.f32 v37, v27  }
0x7e: {  	v44 =	vimm.s32 $0xDCFE98BA;
	v46 =	vimm.s32 $0x54761032;
	v54 =	vimm.s32 $0xEFCDAB89  }
0x7f: {  	v55 =	vimm.s32 $0x67452301;
	v39 =	vunpack.c.l.s4.s8 v39;
	v40 =	vunpack.c.l.s4.s8 v40  }
0x80: {  	v52 =	vld [tilespmem:s3+$0x200];
	v35 =	vmul.f32 v35, v20;
	v41 =	vunpack.c.l.s4.s8 v41;
	v42 =	vunpack.c.l.s4.s8 v42  }
0x81: {  	v56 =	vld [tilespmem:s3+$0x280];
	v48 =	vunpack.c.l.s4.s8 v44;
	v49 =	vunpack.c.l.s4.s8 v46;
	v36 =	vmul.f32 v36, v20  }
0x82: {  	v34 =	vadd.f32 v34, v25;
	v39 =	vunpack.c.0.s8.s32 v39;
	v40 =	vunpack.c.0.s8.s32 v40  }
0x83: {  	v44 =	vld [tilespmem:s3+$0x300];
	v27 =	vadd.f32 v35, v29;
	v60 =	vunpack.c.0.s8.s32 v41;
	v61 =	vunpack.c.0.s8.s32 v42  }
0x84: {  	v50 =	vunpack.c.0.s8.s32 v49;
	v33 =	vmul.f32 v33, v20;
	v31 =	vadd.f32 v36, v31  }
0x85: {  	v36 =	vunpack.c.0.s8.s32 v48;
	v30 =	vmul.f32 v30, v20;
	v35 =	vcombine.low v61, v60  }
0x86: {  	v39 =	vand.u32 $0xF, v39;
	v59 =	vmul.f32 v52, v20;
	v61 =	vmul.f32 v56, v20  }
0x87: {  	v24 =	vadd.f32 v33, v24;
	v29 =	vcombine.low v39, v40;
	v22 =	vadd.f32 v30, v22  }
0x88: {  	v20 =	vmul.f32 v44, v20;
	v23 =	vadd.f32 v59, v23;
	v21 =	vadd.f32 v61, v21  }
0x89: {  	v35 =	vand.u32 $0xF, v35;
	v39 =	vperm.xlane v27, v29;
	v44 =	vperm.xlane v22, v29  }
0x8a: {  	v20 =	vadd.f32 v20, v37;
	v46 =	vperm.xlane v23, v29;
	v48 =	vperm.xlane v21, v29  }
0x8b: {  	v25 =	vadd.f32 v39, v27;
	v27 =	vperm.xlane v31, v29;
	v39 =	vunpack.c.l.s4.s8 v55  }
0x8c: {  	v22 =	vadd.f32 v44, v22;
	v49 =	vperm.xlane v20, v29;
	v44 =	vimm.f32 $0.0e+00  }
0x8d: {  	v23 =	vadd.f32 v46, v23;
	v21 =	vadd.f32 v48, v21;
	v46 =	vimm.f32 $0.0e+00  }
0x8e: {  	v53 =	vperm.xlane v25, v35;
	v27 =	vadd.f32 v27, v31;
	v31 =	vcombine.low v50, v36  }
0x8f: {  	v36 =	vunpack.c.l.s4.s8 v54;
	v57 =	vunpack.c.0.s8.s32 v39;
	v52 =	vperm.xlane v22, v35  }
0x90: {  	v20 =	vadd.f32 v49, v20;
	v54 =	vperm.xlane v21, v35;
	v43 =	vperm.xlane v27, v35  }
0x91: {  	v25 =	vadd.f32 v53, v25;
	v41 =	vand.u32 $0xF, v31;
	v31 =	vunpack.c.0.s8.s32 v36  }
0x92: {  	v53 =	vperm.xlane v23, v35;
	v22 =	vadd.f32 v52, v22;
	v55 =	vperm.xlane v20, v35  }
0x93: {  	s4 =	simm.s32 $0x0;
	s5 =	simm.s32 $0x0;
	v52 =	vimm.f32 $0.0e+00;
	v27 =	vadd.f32 v43, v27;
	v43 =	vperm.xlane v24, v29  }
0x94: {  	s6 =	simm.s32 $0x10000;
	s31 =	sand.u32 $0x70, s5;
	s7 =	sand.u32 $0x7C00, s4;
	v21 =	vadd.f32 v54, v21;
	v54 =	vimm.f32 $0.0e+00;
	v29 =	vperm.xlane v34, v29  }
0x95: {  	s3 =	sor.u32 s31, s7;
	v40 =	vld [tilespmem:s6+$0x0];
	v60 =	vperm.xlane v25, v41;
	v30 =	vcombine.low v57, v31;
	v24 =	vadd.f32 v43, v24  }
0x96: {  	v61 =	vld [tilespmem:s3+$0x8380];
	v23 =	vadd.f32 v53, v23;
	v57 =	vperm.xlane v22, v41;
	v29 =	vadd.f32 v29, v34  }
0x97: {  	v20 =	vadd.f32 v55, v20;
	v59 =	vperm.xlane v21, v41;
	v50 =	vperm.xlane v24, v35  }
0x98: {  	v55 =	vimm.f32 $0.0e+00;
	v31 =	vperm.xlane v27, v41;
	v35 =	vperm.xlane v29, v35  }
0x99: {  	v25 =	vadd.f32 v60, v25;
	v42 =	vand.u32 $0xF, v30;
	v24 =	vadd.f32 v50, v24  }
0x9a: {  	v36 =	vadd.f32 v57, v22;
	v22 =	vperm.xlane v20, v41;
	v29 =	vadd.f32 v35, v29  }
0x9b: {  	v57 =	vmul.f32 v61, v40;
	v43 =	vimm.f32 $0.0e+00;
	v56 =	vperm.xlane v24, v41  }
0x9c: {  	v27 =	vadd.f32 v31, v27;
	v30 =	vperm.xlane v25, v42;
	v60 =	vperm.xlane v29, v41  }
0x9d: {  	v39 =	vperm.xlane v36, v42;
	v35 =	vadd.f32 v56, v24;
	v24 =	vperm.xlane v23, v41;
	v56 =	vld [tilespmem:s3+$0x8000]  }
0x9e: {  	v53 =	vld [tilespmem:s3+$0x8080];
	v22 =	vadd.f32 v22, v20;
	v31 =	vperm.xlane v27, v42;
	v20 =	vadd.f32 v60, v29  }
0x9f: {  	v50 =	vld [tilespmem:s3+$0x8100];
	v37 =	vperm.xlane v35, v42;
	v33 =	vadd.f32 v24, v23;
	v24 =	vadd.f32 v59, v21  }
0xa0: {  	v48 =	vld [tilespmem:s3+$0x8180];
	v41 =	vimm.f32 $0.0e+00;
	v23 =	vperm.xlane v22, v42;
	v21 =	vperm.xlane v20, v42  }
0xa1: {  	v49 =	vld [tilespmem:s3+$0x8200];
	v34 =	vperm.xlane v33, v42;
	v29 =	vperm.xlane v24, v42;
	v42 =	vimm.f32 $0.0e+00  }
.LBB2_3:
0xa2: {  	s5 =	sadd.s32 $0x10, s5;
	v56 =	vmul.f32 v56, v40;
	v59 =	vld [tilespmem:s3+$0x8280];
	s4 =	sadd.s32 $0x80, s4  }
0xa3: {  	s6 =	sadd.s32 $0x10, s6;
	s7 =	sand.u32 $0x70, s5;
	s8 =	sand.u32 $0x7C00, s4;
	v53 =	vmul.f32 v53, v40;
	v60 =	vld [tilespmem:s3+$0x8300];
	v54 =	vadd.f32 v57, v54  }
0xa4: {  	p0 =	slt.u32 s5, $0xFF0;
	v57 =	vld [tilespmem:s6+$0x0];
	s3 =	sor.u32 s7, s8;
	v55 =	vadd.f32 v56, v55;
	v50 =	vmul.f32 v50, v40  }
0xa5: {  	v61 =	vld [tilespmem:s3+$0x8380];
	v52 =	vadd.f32 v53, v52;
	v48 =	vmul.f32 v48, v40  }
.Ltmp1:
0xa6: {  	v56 =	vld [tilespmem:s3+$0x8000];
	v46 =	vadd.f32 v50, v46;
	v49 =	vmul.f32 v49, v40;
	(pc) =	sbr.rel @p0 .LBB2_3-.Ltmp1, $4  }
0xa7: {  	v53 =	vld [tilespmem:s3+$0x8080];
	v43 =	vadd.f32 v48, v43;
	v59 =	vmul.f32 v59, v40  }
0xa8: {  	v50 =	vld [tilespmem:s3+$0x8100];
	v44 =	vadd.f32 v49, v44;
	v60 =	vmul.f32 v60, v40  }
0xa9: {  	v48 =	vld [tilespmem:s3+$0x8180];
	v42 =	vadd.f32 v59, v42;
	v40 =	vmov v57  }
0xaa: {  	v49 =	vld [tilespmem:s3+$0x8200];
	v57 =	vmul.f32 v61, v40;
	v41 =	vadd.f32 v60, v41  }
0xab: {  	v17 =	vsub.f32 v17, v13;
	v60 =	vsub.f32 v13, v19  }
0xac: {  	v14 =	vsub.f32 v14, v8;
	v15 =	vsub.f32 v8, v15  }
0xad: {  	v61 =	vmul.f32 v56, v40;
	v3 =	vsub.f32 v3, v0;
	v19 =	vsub.f32 v0, v4  }
0xae: {  	vm0 =	vmmov $0x1;
	vm14 =	vmmov $0x3;
	vm15 =	vmmov $0x7  }
0xaf: {  	v56 =	vld [tilespmem:$0x1FCE0];
	vm4 =	vmmov $0xf;
	vm5 =	vmmov $0x1f;
	v22 =	vadd.f32 v23, v22  }
0xb0: {  	v59 =	vld [tilespmem:$0x1FD00];
	vm6 =	vmmov $0x3f;
	v20 =	vadd.f32 v21, v20;
	v8 =	vadd.f32 v57, v54  }
0xb1: {  	v54 =	vsub.f32 v12, v6;
	v57 =	vld [tilespmem:$0x1FCF0];
	v17 =	vmax.f32 v17, $0.0e+00;
	v13 =	vmax.f32 v60, $0.0e+00  }
0xb2: {  	v14 =	vmax.f32 v14, $0.0e+00;
	v13 =	vmul.f32 v10, v13;
	v10 =	vadd.f32 v61, v55;
	v61 =	vld [tilespmem:$0x1FD10]  }
0xb3: {  	v15 =	vmax.f32 v15, $0.0e+00;
	v16 =	vmul.f32 v16, v17;
	v1 =	vmul.f32 v1, v14;
	v14 =	vld [tilespmem:$0x1FD20]  }
0xb4: {  	v2 =	vmul.f32 v2, v15;
	v4 =	vmax.f32 v54, $0.0e+00;
	v17 =	vmul.f32 v53, v40;
	v53 =	vld [tilespmem:$0x1FD40]  }
0xb5: {  	v55 =	vsub.f32 v6, v9;
	v4 =	vmul.f32 v63, v4;
	v63 =	vsub.f32 v58, v62;
	v62 =	vld [tilespmem:$0x1FDA0]  }
0xb6: {  	vm7 =	vmmov $0x7f;
	vm8 =	vmmov $0xff;
	v13 =	vadd.f32 v13, v16;
	v16 =	vld [tilespmem:$0x1FD30]  }
0xb7: {  	v3 =	vmax.f32 v3, $0.0e+00;
	v1 =	vadd.f32 v2, v1;
	v2 =	vmax.f32 v55, $0.0e+00;
	v55 =	vld [tilespmem:$0x1FD50]  }
0xb8: {  	vm9 =	vmmov $0x1ff;
	v0 =	vmax.f32 v19, $0.0e+00;
	v3 =	vmul.f32 v56, v3;
	v56 =	vld [tilespmem:$0x1FD80]  }
0xb9: {  	vm10 =	vmmov $0x3ff;
	vm11 =	vmmov $0x7ff;
	v0 =	vmul.f32 v57, v0;
	v57 =	vld [tilespmem:$0x1FD60]  }
0xba: {  	vm12 =	vmmov $0xfff;
	vm13 =	vmmov $0x1fff;
	v2 =	vmul.f32 v59, v2;
	v59 =	vld [tilespmem:$0x1FDC0]  }
0xbb: {  	v15 =	vmax.f32 v63, $0.0e+00;
	v63 =	vld [tilespmem:$0x1FDB0];
	v60 =	vand.u32 $0x7FFFFFFF, v13;
	v1 =	vand.u32 $0x7FFFFFFF, v1  }
0xbc: {  	v9 =	vsub.f32 v61, v58;
	v6 =	vmax.f32 v60, $0.0e+00;
	v0 =	vadd.f32 v0, v3;
	v58 =	vld [tilespmem:$0x1FD90]  }
0xbd: {  	v2 =	vadd.f32 v2, v4;
	v60 =	vld [tilespmem:$0x1FDD0];
	v1 =	vmax.f32 v6, v1;
	v6 =	vadd.f32 v17, v52  }
0xbe: {  	v61 =	vld [tilespmem:$0x1FD70];
	v13 =	vmax.f32 v9, $0.0e+00;
	v4 =	vmul.f32 v16, v15;
	v0 =	vand.u32 $0x7FFFFFFF, v0  }
0xbf: {  	v17 =	vld [tilespmem:$0x1FDF0];
	v19 =	vand.u32 $0x7FFFFFFF, v2;
	v2 =	vsub.f32 v53, v45;
	v3 =	vmul.f32 v14, v13  }
0xc0: {  	v16 =	vld [tilespmem:$0x1FDE0];
	v0 =	vmax.f32 v1, v0;
	v12 =	vsub.f32 v59, v51;
	v59 =	vmul.f32 v49, v40  }
0xc1: {  	v15 =	vld [tilespmem:$0x1FE80];
	v0 =	vmax.f32 v0, v19;
	v2 =	vmax.f32 v2, $0.0e+00;
	v54 =	vadd.f32 v4, v3  }
0xc2: {  	v19 =	vld [tilespmem:$0x1FE00];
	v3 =	vsub.f32 v45, v55;
	v4 =	vsub.f32 v56, v47;
	v2 =	vmul.f32 v57, v2  }
0xc3: {  	v9 =	vsub.f32 v47, v58;
	v13 =	vsub.f32 v51, v60;
	v12 =	vmax.f32 v12, $0.0e+00;
	v45 =	vld [tilespmem:$0x1FE10]  }
0xc4: {  	v51 =	vmul.f32 v50, v40;
	v55 =	vld [tilespmem:$0x1FE30];
	v58 =	vmul.f32 v48, v40;
	v3 =	vmax.f32 v3, $0.0e+00  }
0xc5: {  	v60 =	vld [tilespmem:$0x1FE40];
	v4 =	vmax.f32 v4, $0.0e+00;
	v9 =	vmax.f32 v9, $0.0e+00;
	v3 =	vmul.f32 v61, v3  }
0xc6: {  	v13 =	vmax.f32 v13, $0.0e+00;
	v1 =	vand.u32 $0x7FFFFFFF, v54;
	v54 =	vld [tilespmem:$0x1FE20];
	v4 =	vmul.f32 v62, v4  }
0xc7: {  	v9 =	vmul.f32 v63, v9;
	v61 =	vld [tilespmem:$0x1FE50];
	v2 =	vadd.f32 v3, v2;
	v3 =	vmul.f32 v16, v12  }
0xc8: {  	v12 =	vmul.f32 v17, v13;
	v13 =	vsub.f32 v19, v38;
	v14 =	vsub.f32 v38, v45;
	v16 =	vld [tilespmem:$0x1FE60]  }
0xc9: {  	v0 =	vmax.f32 v0, v1;
	v47 =	vadd.f32 v9, v4;
	v4 =	vadd.f32 v51, v46;
	v17 =	vld [tilespmem:$0x1FE70]  }
0xca: {  	v19 =	vld [tilespmem:$0x1FE90];
	v3 =	vadd.f32 v12, v3;
	v52 =	vmax.f32 v13, $0.0e+00;
	v53 =	vmax.f32 v14, $0.0e+00  }
0xcb: {  	v38 =	vld [tilespmem:$0x1FED0];
	v2 =	vand.u32 $0x7FFFFFFF, v2;
	v9 =	vmul.f32 v54, v52;
	v12 =	vmul.f32 v55, v53  }
0xcc: {  	v1 =	vand.u32 $0x7FFFFFFF, v47;
	v13 =	vadd.f32 v58, v43;
	v43 =	vld [tilespmem:s3+$0x8300];
	v0 =	vmax.f32 v0, v2  }
0xcd: {  	v52 =	vld [tilespmem:$0x1FF10];
	v0 =	vmax.f32 v0, v1;
	v56 =	vadd.f32 v12, v9;
	v9 =	vsub.f32 v60, v32  }
0xce: {  	v57 =	vand.u32 $0x7FFFFFFF, v3;
	v3 =	vadd.f32 v59, v44;
	v12 =	vsub.f32 v32, v61  }
0xcf: {  	v46 =	vld [tilespmem:$0x1FEB0];
	v0 =	vmax.f32 v0, v57;
	v1 =	vand.u32 $0x7FFFFFFF, v56;
	v62 =	vmax.f32 v9, $0.0e+00  }
0xd0: {  	v32 =	vld [tilespmem:$0x1FEC0];
	v63 =	vmax.f32 v12, $0.0e+00;
	v9 =	vsub.f32 v15, v26;
	v12 =	vsub.f32 v26, v19  }
0xd1: {  	v44 =	vld [tilespmem:$0x1FEA0];
	v0 =	vmax.f32 v0, v1;
	v1 =	vmul.f32 v16, v62;
	v2 =	vmul.f32 v17, v63  }
0xd2: {  	v51 =	vld [tilespmem:$0x1FF00];
	v16 =	vsub.f32 v28, v38;
	v53 =	vsub.f32 v18, v52;
	v17 =	vmul.f32 v43, v40  }
0xd3: {  	v62 =	vadd.f32 v30, v25;
	v63 =	vimm.s32 $0xFEDCBA98;
	v25 =	vadd.f32 v31, v27  }
0xd4: {  	v50 =	vld [tilespmem:$0x1FEF0];
	v30 =	vimm.s32 $0xBA98FEDC;
	v31 =	vimm.s32 $0x32107654;
	v52 =	vadd.f32 v29, v24  }
0xd5: {  	v26 =	vld [tilespmem:s3+$0x8280];
	v9 =	vmax.f32 v9, $0.0e+00;
	v45 =	vmax.f32 v12, $0.0e+00;
	v15 =	vsub.f32 v32, v28  }
0xd6: {  	v61 =	vld [tilespmem:$0x1FF40];
	v1 =	vadd.f32 v2, v1;
	v2 =	vmul.f32 v44, v9;
	v9 =	vmul.f32 v46, v45  }
0xd7: {  	v49 =	vld [tilespmem:$0x1FEE0];
	v48 =	vmax.f32 v16, $0.0e+00;
	v16 =	vsub.f32 v51, v18;
	v57 =	vmax.f32 v53, $0.0e+00  }
0xd8: {  	v58 =	vld [tilespmem:$0x1FF20];
	v18 =	vunpack.c.l.s4.s8 v31;
	v32 =	vadd.f32 v37, v35;
	v35 =	vadd.f32 v39, v36  }
0xd9: {  	v38 =	vld [tilespmem:$0x1FF50];
	v44 =	vadd.f32 v34, v33;
	v46 =	vimm.s32 $0xEFCDAB89;
	v47 =	vmax.f32 v15, $0.0e+00  }
0xda: {  	v59 =	vld [tilespmem:$0x1FF30];
	v15 =	vmul.f32 v50, v48;
	v14 =	vmul.f32 v26, v40;
	v1 =	vand.u32 $0x7FFFFFFF, v1  }
0xdb: {  	v54 =	vadd.f32 v9, v2;
	v56 =	vmax.f32 v16, $0.0e+00;
	v2 =	vsub.f32 v61, v11  }
0xdc: {  	v26 =	vimm.s32 $0x76543210;
	v37 =	vunpack.c.0.s8.s32 v18;
	v40 =	vimm.s32 $0xDCFE98BA  }
0xdd: {  	v12 =	vmul.f32 v49, v47;
	v0 =	vmax.f32 v0, v1;
	v9 =	vmul.f32 v58, v56  }
0xde: {  	v27 =	vld [tilespmem:$0x1FF60];
	v11 =	vsub.f32 v11, v38;
	v47 =	vimm.s32 $0x67452301;
	v49 =	vunpack.c.l.s4.s8 v46  }
0xdf: {  	v1 =	vand.u32 $0x7FFFFFFF, v54;
	v55 =	vadd.f32 v15, v12;
	v12 =	vmul.f32 v59, v57  }
0xe0: {  	v14 =	vadd.f32 v14, v42;
	v2 =	vmax.f32 v2, $0.0e+00;
	v50 =	vunpack.c.l.s4.s8 v47  }
0xe1: {  	v0 =	vmax.f32 v0, v1;
	v1 =	vadd.f32 v12, v9;
	v12 =	vunpack.c.l.s4.s8 v63  }
0xe2: {  	v15 =	vadd.f32 v17, v41;
	v17 =	vunpack.c.l.s4.s8 v26;
	v41 =	vimm.s32 $0x54761032  }
0xe3: {  	v2 =	vmul.f32 v27, v2;
	v43 =	vunpack.c.l.s4.s8 v41;
	v12 =	vunpack.c.0.s8.s32 v12  }
0xe4: {  	v51 =	vunpack.c.0.s8.s32 v50;
	v60 =	vand.u32 $0x7FFFFFFF, v55;
	v28 =	vunpack.c.0.s8.s32 v17  }
0xe5: {  	v9 =	vsel vm0, v62, v25;
	v17 =	vunpack.c.l.s4.s8 v30;
	v12 =	vand.u32 $0xF, v12  }
0xe6: {  	v0 =	vmax.f32 v0, v60;
	v9 =	vsel vm14, v9, v32;
	v12 =	vcombine.low v12, v28  }
0xe7: {  	v18 =	vunpack.c.0.s8.s32 v43;
	v36 =	vunpack.c.0.s8.s32 v17;
	v17 =	vunpack.c.l.s4.s8 v40  }
0xe8: {  	vm14 =	vmmov $0x3fff;
	v9 =	vsel vm15, v9, v35;
	v39 =	vperm.xlane v10, v12  }
0xe9: {  	v9 =	vsel vm4, v9, v44;
	v16 =	vcombine.low v37, v36;
	v17 =	vunpack.c.0.s8.s32 v17  }
0xea: {  	v9 =	vsel vm5, v9, v52;
	v42 =	vperm.xlane v6, v12;
	v10 =	vadd.f32 v39, v10  }
0xeb: {  	vm15 =	vmmov $0x7fff;
	v9 =	vsel vm6, v9, v22;
	v16 =	vand.u32 $0xF, v16  }
0xec: {  	v17 =	vcombine.low v18, v17;
	v6 =	vadd.f32 v42, v6;
	v45 =	vperm.xlane v10, v16  }
0xed: {  	v18 =	vunpack.c.0.s8.s32 v49;
	v9 =	vsel vm7, v9, v20;
	v55 =	vperm.xlane v4, v12  }
0xee: {  	v59 =	vperm.xlane v13, v12;
	v48 =	vperm.xlane v6, v16;
	v10 =	vadd.f32 v45, v10  }
0xef: {  	v61 =	vperm.xlane v3, v12;
	v63 =	vperm.xlane v14, v12;
	v17 =	vand.u32 $0xF, v17  }
0xf0: {  	v22 =	vperm.xlane v15, v12;
	v6 =	vadd.f32 v48, v6;
	v53 =	vperm.xlane v10, v17  }
0xf1: {  	v12 =	vperm.xlane v8, v12;
	v18 =	vcombine.low v51, v18;
	v4 =	vadd.f32 v55, v4  }
0xf2: {  	v60 =	vadd.f32 v59, v13;
	v54 =	vperm.xlane v6, v17;
	v10 =	vadd.f32 v53, v10  }
0xf3: {  	v3 =	vadd.f32 v61, v3;
	v23 =	vadd.f32 v63, v14;
	v18 =	vand.u32 $0xF, v18  }
0xf4: {  	v13 =	vadd.f32 v22, v15;
	v6 =	vadd.f32 v54, v6;
	v56 =	vperm.xlane v10, v18  }
0xf5: {  	v8 =	vadd.f32 v12, v8;
	v58 =	vperm.xlane v4, v16;
	v20 =	vperm.xlane v60, v16  }
0xf6: {  	v24 =	vperm.xlane v3, v16;
	v57 =	vperm.xlane v6, v18;
	v10 =	vadd.f32 v56, v10  }
0xf7: {  	v19 =	vperm.xlane v23, v16;
	v27 =	vperm.xlane v13, v16;
	v4 =	vadd.f32 v58, v4  }
0xf8: {  	v6 =	vadd.f32 v57, v6;
	v9 =	vsel vm8, v9, v10;
	v10 =	vadd.f32 v20, v60  }
0xf9: {  	v28 =	vperm.xlane v8, v16;
	v3 =	vadd.f32 v24, v3;
	v62 =	vperm.xlane v4, v17  }
0xfa: {  	v6 =	vsel vm9, v9, v6;
	v9 =	vadd.f32 v19, v23;
	v26 =	vperm.xlane v10, v17  }
0xfb: {  	v13 =	vadd.f32 v27, v13;
	v29 =	vperm.xlane v3, v17;
	v4 =	vadd.f32 v62, v4  }
0xfc: {  	v46 =	vld [tilespmem:$0x1FF70];
	v8 =	vadd.f32 v28, v8;
	v30 =	vperm.xlane v9, v17;
	v10 =	vadd.f32 v26, v10  }
0xfd: {  	v47 =	vld [tilespmem:$0x1FFC0];
	v32 =	vperm.xlane v13, v17;
	v3 =	vadd.f32 v29, v3;
	v25 =	vperm.xlane v4, v18  }
0xfe: {  	v43 =	vld [tilespmem:$0x1FF90];
	v34 =	vperm.xlane v8, v17;
	v33 =	vadd.f32 v30, v9;
	v31 =	vperm.xlane v10, v18  }
0xff: {  	v49 =	vld [tilespmem:$0x1FFD0];
	v12 =	vadd.f32 v32, v13;
	v35 =	vperm.xlane v3, v18;
	v4 =	vadd.f32 v25, v4  }
0x100: {  	v40 =	vld [tilespmem:$0x11000];
	v8 =	vadd.f32 v34, v8;
	v36 =	vperm.xlane v33, v18;
	v10 =	vadd.f32 v31, v10  }
0x101: {  	v42 =	vld [tilespmem:$0x1FF80];
	v37 =	vperm.xlane v12, v18;
	v3 =	vadd.f32 v35, v3;
	v4 =	vsel vm10, v6, v4  }
0x102: {  	v52 =	vld [tilespmem:$0x1FFA0];
	v38 =	vperm.xlane v8, v18;
	v6 =	vadd.f32 v36, v33;
	v4 =	vsel vm11, v4, v10  }
0x103: {  	v44 =	vsub.f32 v7, v43;
	v53 =	vld [tilespmem:$0x1FFB0];
	v39 =	vadd.f32 v37, v12;
	v3 =	vsel vm12, v4, v3  }
0x104: {  	v50 =	vsub.f32 v5, v49;
	v41 =	vadd.f32 v38, v8;
	v56 =	vld [tilespmem:$0x1FFE0];
	v3 =	vsel vm13, v3, v6  }
0x105: {  	v45 =	vmax.f32 v11, $0.0e+00;
	v8 =	vsub.f32 v47, v5;
	v57 =	vld [tilespmem:$0x1FFF0];
	v3 =	vsel vm14, v3, v39  }
0x106: {  	v48 =	vld [tilespmem:$0x11010];
	v4 =	vsub.f32 v42, v7;
	v6 =	vmul.f32 v46, v45;
	v3 =	vsel vm15, v3, v41  }
0x107: {  	v5 =	vmax.f32 v50, $0.0e+00;
	v54 =	vmax.f32 v8, $0.0e+00;
	v51 =	vsub.f32 v40, v3  }
0x108: {  	v7 =	vmax.f32 v44, $0.0e+00;
	v4 =	vmax.f32 v4, $0.0e+00;
	v2 =	vadd.f32 v6, v2  }
0x109: {  	v4 =	vmul.f32 v52, v4;
	v6 =	vmul.f32 v53, v7;
	v55 =	vxor.u32 $0x80000000, v51  }
0x10a: {  	v5 =	vmul.f32 v57, v5;
	v7 =	vmul.f32 v56, v54;
	v8 =	vmax.f32 v55, $0.0e+00  }
0x10b: {  	v1 =	vand.u32 $0x7FFFFFFF, v1;
	v4 =	vadd.f32 v6, v4;
	v58 =	vmul.f32 v8, v48  }
0x10c: {  	v0 =	vmax.f32 v0, v1;
	v59 =	vadd.f32 v5, v7;
	v2 =	vand.u32 $0x7FFFFFFF, v2  }
0x10d: {  	v0 =	vmax.f32 v0, v2;
	v4 =	vand.u32 $0x7FFFFFFF, v4;
	v60 =	vadd.f32 v58, v51  }
0x10e: {  	v63 =	vand.u32 $0x7FFFFFFF, v40;
	v1 =	vand.u32 $0x7FFFFFFF, v59;
	v0 =	vmax.f32 v0, v4  }
0x10f: {  	[tilespmem:$0x11580] =	vst v63;
	v62 =	vand.u32 $0x7FFFFFFF, v3;
	v0 =	vmax.f32 v0, v1;
	v61 =	vand.u32 $0x7FFFFFFF, v60  }
0x110: {  	s29 =	sshll.u32 s1, $0x6;
	s30 =	simm.s32 $0x0;
	[tilespmem:$0x11500] =	vst v62;
	v0 =	vmax.f32 v0, v61  }
0x111: {  	s4 =	simm.s32 $0x11480;
	s31 =	simm.s32 $0x2;
	s2 =	sadd.s32 s2, s29;
	[tilespmem:$0x11480] =	vst v0  }
0x112: {  	[hbm4b:s2+s30] =	stream.linear.scatter [tilespmem:s4], [sflag:$0x2], $0x180, $0x38;
	[tilespmem:$0x11680] =	vst v63  }
0x113: {  	_ =	swait.ge [sflag:s31], $0x180  }
0x114: {  	[sflag:s31] =	ssyncset.done $0x0  }
0x115: {  	[sflag:s31] =	ssyncadd.s32 $0xFFFFFE80  }
0x116: {  	_ =	sfence.sel $0x180000  }
0x117: {  	[bflag:$0x0] =	sbarrier.arrive $0xFFFF  }
0x118: {  	p0 =	sne.s32 s1, $0x0;
	_ =	strace $0x90000047  }
0x119: {  	s0 =	sadd.s32 @!p0 $0x100000, s0;
	[bflag:$0x2] =	sbarrier.arrive $0xFFFF  }
0x11a: {  	[sflag:s0] =	ssyncadd.tile.s32 @!p0 $0x1;
	_ =	shalt  }
.Lfunc_end2:
_tile_overlayer_lowered:
.L_overlay_start_2:
0x11b: {  	(tag) =	ssettag $0x2  }
0x11c: {  	s0 =	rddreg [dreg:$0x0];
	s2 =	stileid.u32  }
0x11d: {  	s1 =	rddreg [dreg:$0x1];
	p0 =	sne.s32 s2, $0x0  }
0x11e: {  	s3 =	rddreg [dreg:$0x2];
	[bflag:$0x3] =	sbarrier.arrive $0xFFFF;
	s2 =	simm.s32 @!p0 $0x1C02  }
0x11f: {  	[timem:s3], [sflag:s2] =	dma.local @!p0 [hbm:s0], s1  }
0x120: {  	s0 =	simm.s32 @!p0 $0x2  }
0x121: {  	_ =	swait.ge @!p0 [sflag:s0], s1  }
0x122: {  	s1 =	ssub.s32 @!p0 $0x0, s1;
	[sflag:s0] =	ssyncset.done @!p0 $0x0  }
0x123: {  	[sflag:s0] =	ssyncadd.s32 @!p0 s1  }
0x124: {  	[bflag:$0x3] =	sbarrier.arrive $0xFFFF  }
0x125: {  	_ =	shalt  }

</sc_bundles>
